<compile_context>
chip_gen: v7x
topology: tpu7x:2x2x1
jax: 0.10.2.dev20260603
libtpu: 0.0.44.dev20260713+nightly
codegen_flags: <defaults>
</compile_context>

<pallas_src>
import functools

import jax
import jax.numpy as jnp
from jax import lax
from jax.experimental import pallas as pl
from jax.experimental.pallas import tpu as pltpu
from jax.experimental.pallas import tpu_sc as plsc

NC = 2
NS = 16
NW = NC * NS
L = 16

_MESH = plsc.VectorSubcoreMesh(core_axis_name="c", subcore_axis_name="s")



@functools.lru_cache(maxsize=None)
def _deg_call(E, N):
    epw = E // NW
    nvec = epw // L
    nhz = N // L

    def body(src_hbm, dst_hbm, hs_out, hd_out, idx_v, hist):
        cid = lax.axis_index("c")
        sid = lax.axis_index("s")
        wid = cid * NS + sid
        zeros16 = jnp.zeros((L,), jnp.float32)
        ones16 = jnp.ones((L,), jnp.float32)

        def run(ind_hbm, out_hbm):
            def zero_it(i, c):
                hist[pl.ds(i * L, L)] = zeros16
                return c
            lax.fori_loop(0, nhz, zero_it, 0)
            pltpu.sync_copy(ind_hbm.at[pl.ds(wid * epw, epw)], idx_v)

            def acc(i, c):
                idx = idx_v[pl.ds(i * L, L)]
                plsc.addupdate_scatter(hist, [idx], ones16)
                return c
            lax.fori_loop(0, nvec, acc, 0)
            pltpu.sync_copy(hist, out_hbm.at[wid, 0])

        run(src_hbm, hs_out)
        run(dst_hbm, hd_out)

    return pl.kernel(
        body,
        out_type=[
            jax.ShapeDtypeStruct((NW, 1, N), jnp.float32),
            jax.ShapeDtypeStruct((NW, 1, N), jnp.float32),
        ],
        mesh=_MESH,
        scratch_types=[
            pltpu.VMEM((epw,), jnp.int32),
            pltpu.VMEM((N,), jnp.float32),
        ],
        compiler_params=pltpu.CompilerParams(needs_layout_passes=False),
    )


_CH = 96
_NBUF = 4


@functools.lru_cache(maxsize=None)
def _agg_call(E, N, D):
    epw = E // NW
    nch = epw // _CH
    ng = nch // _NBUF
    rem = nch - ng * _NBUF
    assert rem <= 2
    Npad = (N // 128 + 1) * 128
    rpt = Npad // NS

    def body(h_hbm, src_hbm, dst_hbm, zz_hbm, out_hbm,
             s0, s1, s2, s3, d0, d1, d2, d3, r0, r1, r2, r3,
             agg_sh, *sems):
        rows = (r0, r1, r2, r3)
        sidx = (s0, s1, s2, s3)
        didx = (d0, d1, d2, d3)
        gsem, ssem, xsem, ysem = sems[0:4], sems[4:8], sems[8:12], sems[12:16]
        cid = lax.axis_index("c")
        sid = lax.axis_index("s")
        wid = cid * NS + sid

        def sload(i, k):
            return pltpu.make_async_copy(
                src_hbm.at[pl.ds(wid * epw + i * _CH, _CH)], sidx[k], xsem[k])

        def dload(i, k):
            return pltpu.make_async_copy(
                dst_hbm.at[pl.ds(wid * epw + i * _CH, _CH)], didx[k], ysem[k])

        def gather(i, k):
            return pltpu.make_async_copy(h_hbm.at[sidx[k]], rows[k], gsem[k])

        def scatter(k):
            return pltpu.make_async_copy(rows[k], agg_sh.at[didx[k]], ssem[k])

        for k in range(_NBUF):
            sload(k, k).start()
        for k in range(2):
            dload(k, k).start()
        for k in range(2):
            sload(k, k).wait()
            gather(k, k).start()
        pltpu.sync_copy(zz_hbm.at[pl.ds(sid * rpt, rpt)],
                        agg_sh.at[pl.ds(sid * rpt, rpt)])
        plsc.subcore_barrier()

        def slot(i, k):
            gather(i, k).wait()
            dload(i, k).wait()
            scatter(k).start(add=True)
            kk = (k + 2) % _NBUF
            @pl.when(i >= 2)
            def _():
                scatter(kk).wait()
            @pl.when(i + 2 < nch)
            def _():
                dload(i + 2, kk).start()
                sload(i + 2, kk).wait()
                gather(i + 2, kk).start()
            @pl.when(i + 4 < nch)
            def _():
                sload(i + 4, k).start()

        def group(g, c):
            for k in range(_NBUF):
                slot(g * _NBUF + k, k)
            return c
        lax.fori_loop(0, ng, group, 0)
        for t in range(rem):
            slot(ng * _NBUF + t, t)

        for i in range(nch - 2, nch):
            scatter(i % _NBUF).wait()
        plsc.subcore_barrier()
        pltpu.sync_copy(agg_sh.at[pl.ds(sid * rpt, rpt)],
                        out_hbm.at[cid, pl.ds(sid * rpt, rpt)])

    return pl.kernel(
        body,
        out_type=jax.ShapeDtypeStruct((NC, Npad, D), jnp.float32),
        mesh=_MESH,
        scratch_types=[pltpu.VMEM((_CH,), jnp.int32)] * 8
        + [pltpu.VMEM((_CH, D), jnp.float32)] * 4
        + [pltpu.VMEM_SHARED((Npad, D), jnp.float32)]
        + [pltpu.SemaphoreType.DMA] * 16,
        compiler_params=pltpu.CompilerParams(needs_layout_passes=False),
    )



def _prep_body(x_ref, hs_ref, hd_ref, h1_ref, ns_ref, nd_ref):
    ds = jnp.sum(hs_ref[...], axis=1, keepdims=True)
    dd = jnp.sum(hd_ref[...], axis=1, keepdims=True)
    ns = jnp.where(ds > 0, lax.rsqrt(ds), 0.0)
    nd = jnp.where(dd > 0, lax.rsqrt(dd), 0.0)
    ns_ref[...] = ns
    nd_ref[...] = nd
    h1_ref[...] = x_ref[...] * ns


@functools.lru_cache(maxsize=None)
def _prep_call(N, D, R=2000):
    grid = N // R
    return pl.pallas_call(
        _prep_body,
        grid=(grid,),
        in_specs=[
            pl.BlockSpec((R, D), lambda i: (i, 0)),
            pl.BlockSpec((R, NW), lambda i: (i, 0)),
            pl.BlockSpec((R, NW), lambda i: (i, 0)),
        ],
        out_specs=[
            pl.BlockSpec((R, D), lambda i: (i, 0)),
            pl.BlockSpec((R, 1), lambda i: (i, 0)),
            pl.BlockSpec((R, 1), lambda i: (i, 0)),
        ],
        out_shape=[
            jax.ShapeDtypeStruct((N, D), jnp.float32),
            jax.ShapeDtypeStruct((N, 1), jnp.float32),
            jax.ShapeDtypeStruct((N, 1), jnp.float32),
        ],
    )


def _dense_body(apply_tanh, agg_ref, nd_ref, ns_ref, w_ref, b_ref, out_ref):
    a = (agg_ref[0] + agg_ref[1]) * nd_ref[...]
    y = jnp.dot(a, w_ref[...], preferred_element_type=jnp.float32) + b_ref[...]
    if apply_tanh:
        y = jnp.tanh(y) * ns_ref[...]
    out_ref[...] = y


@functools.lru_cache(maxsize=None)
def _dense_call(N, D, H, apply_tanh, R=2000):
    grid = N // R
    return pl.pallas_call(
        functools.partial(_dense_body, apply_tanh),
        grid=(grid,),
        in_specs=[
            pl.BlockSpec((NC, R, D), lambda i: (0, i, 0)),
            pl.BlockSpec((R, 1), lambda i: (i, 0)),
            pl.BlockSpec((R, 1), lambda i: (i, 0)),
            pl.BlockSpec((D, H), lambda i: (0, 0)),
            pl.BlockSpec((1, H), lambda i: (0, 0)),
        ],
        out_specs=pl.BlockSpec((R, H), lambda i: (i, 0)),
        out_shape=jax.ShapeDtypeStruct((N, H), jnp.float32),
    )



def kernel(x, edge_index, W1, b1, W2, b2):
    N, D = x.shape
    H = W1.shape[1]
    E = edge_index.shape[1]

    Npad = (N // 128 + 1) * 128
    epw_pad = -(-(E // NW) // _CH) * _CH
    while (epw_pad // _CH) % _NBUF > 2:
        epw_pad += _CH
    Epad = epw_pad * NW
    if Epad != E:
        ppw = epw_pad - E // NW
        iota = jnp.arange(ppw * NW, dtype=jnp.int32).reshape(NW, ppw)
        src_p = jnp.concatenate(
            [edge_index[0].reshape(NW, -1), iota % N], axis=1).reshape(-1)
        dst_p = jnp.concatenate(
            [edge_index[1].reshape(NW, -1), N + iota % (Npad - N)], axis=1
        ).reshape(-1)
    else:
        src_p, dst_p = edge_index[0], edge_index[1]

    hs, hd = _deg_call(E, N)(edge_index[0], edge_index[1])
    h1, ns, nd = _prep_call(N, D)(x, hs[:, 0, :].T, hd[:, 0, :].T)

    zz = jnp.zeros((Npad, D), jnp.float32)
    agg1 = _agg_call(Epad, N, D)(h1, src_p, dst_p, zz)
    h2 = _dense_call(N, D, H, True)(agg1, nd, ns, W1, b1[None])

    agg2 = _agg_call(Epad, N, H)(h2, src_p, dst_p, zz)
    half = D // 2
    W2e = jnp.concatenate([W2[:, half:], -W2[:, :half]], axis=1)
    b2e = jnp.concatenate([b2[half:], -b2[:half]])
    out = _dense_call(N, H, D, False)(agg2, nd, ns, W2e, b2e[None])
    return out

# --- scband reference (transcript-rebuilt; emitter-appended) ---
"""Pipeline reference for scband-dgl-hnn-43379169689779 (READ-ONLY COPY).

The authoritative reference and input builder live on the scoring server;
editing this copy changes nothing except your own understanding.
"""

import jax, jax.numpy as jnp
import numpy as np

N = 10000
E = 320000
D = 128   # in_feats
H = 128   # hid_feats


def setup_inputs(seed: int = 0) -> dict:
    key = jax.random.key(seed)
    k1, k2, k3, k4, k5, k6 = jax.random.split(key, 6)
    x = jax.random.normal(k1, (N, D), dtype=jnp.float32)
    edge_index = jax.random.randint(k2, (2, E), 0, N, dtype=jnp.int32)
    # dgl GraphConv weights: glorot-ish init
    W1 = jax.random.normal(k3, (D, H), dtype=jnp.float32) * (1.0 / np.sqrt(D))
    b1 = jnp.zeros((H,), dtype=jnp.float32)
    W2 = jax.random.normal(k4, (H, D), dtype=jnp.float32) * (1.0 / np.sqrt(H))
    b2 = jnp.zeros((D,), dtype=jnp.float32)
    return {"x": x, "edge_index": edge_index, "W1": W1, "b1": b1, "W2": W2, "b2": b2}


def _graph_conv(x, src, dst, W, b):
    # dgl GraphConv with norm='both': D_out^{-1/2} -> A-aggregate -> D_in^{-1/2} -> linear
    deg_out = jnp.zeros((N,), jnp.float32).at[src].add(1.0)
    deg_in = jnp.zeros((N,), jnp.float32).at[dst].add(1.0)
    norm_src = jnp.where(deg_out > 0, deg_out ** -0.5, 0.0)
    norm_dst = jnp.where(deg_in > 0, deg_in ** -0.5, 0.0)
    h = x * norm_src[:, None]
    msg = jnp.take(h, src, axis=0)                      # gather over edges
    agg = jnp.zeros_like(h).at[dst].add(msg)            # scatter-add over edges
    h = agg * norm_dst[:, None]
    return h @ W + b


def reference(x, edge_index, W1, b1, W2, b2):
    src = edge_index[0]
    dst = edge_index[1]
    # dHdx: layer1 -> tanh -> layer2
    y = _graph_conv(x, src, dst, W1, b1)
    y = jnp.tanh(y)
    y = _graph_conv(y, src, dst, W2, b2)
    # J = symplectic matrix built from identity blocks
    dim = D
    M = jnp.eye(dim, dtype=jnp.float32)
    M = jnp.concatenate([M[dim // 2:], -M[:dim // 2]], axis=0)
    out = y @ M.T
    return out

if __name__ == "__main__":
    import jax
    _d = setup_inputs()
    print(jax.jit(kernel)(*tuple(_d.values())))

</pallas_src>

<mosaic_0001>
#map = affine_map<(d0, d1) -> (0)>
#map1 = affine_map<(d0, d1) -> (0, 0, 0)>
module attributes {stable_mosaic.version = 14 : i64} {
  func.func @body(%arg0: i32, %arg1: i32, %arg2: memref<320000xi32, #tpu.memory_space<hbm>>, %arg3: memref<320000xi32, #tpu.memory_space<hbm>>, %arg4: memref<32x1x10000xf32, #tpu.memory_space<hbm>>, %arg5: memref<32x1x10000xf32, #tpu.memory_space<hbm>>, %arg6: memref<10000xi32, #tpu.memory_space<vmem>>, %arg7: memref<10000xf32, #tpu.memory_space<vmem>>) attributes {dimension_semantics = [#tpu.dimension_semantics<core_parallel>, #tpu.dimension_semantics<subcore_parallel>], iteration_bounds = array<i64: 2, 16>, scalar_prefetch = 0 : i64, scratch_operands = 2 : i64, tpu.core_type = #tpu.core_type<sc_vector_subcore>, window_params = [{transform_indices = #map}, {transform_indices = #map}, {transform_indices = #map1}, {transform_indices = #map1}]} {
    %mul3A = arith.constant 16 : i32
    %mul3A_0 = arith.muli %arg0, %mul3A : i32
    %add3A = arith.addi %mul3A_0, %arg1 : i32
    %broadcast_in_dim3A = arith.constant 0.000000e+00 : f32
    %broadcast_in_dim3A_1 = vector.broadcast %broadcast_in_dim3A : f32 to vector<16xf32>
    %broadcast_in_dim3A_2 = arith.constant 1.000000e+00 : f32
    %broadcast_in_dim3A_3 = vector.broadcast %broadcast_in_dim3A_2 : f32 to vector<16xf32>
    %scan3A = arith.constant 0 : i32
    %scan3A_4 = arith.constant 0 : i32
    %scan3A_5 = arith.constant 625 : i32
    %scan3A_6 = arith.addi %scan3A_4, %scan3A_5 : i32
    %scan3A_7 = arith.constant 1 : i32
    scf.for %scan3A_32 = %scan3A_4 to %scan3A_6 step %scan3A_7  : i32 {
      %mul3A_33 = arith.constant 16 : i32
      %mul3A_34 = arith.muli %scan3A_32, %mul3A_33 : i32
      %swap3A = arith.index_cast %mul3A_34 : i32 to index
      %swap3A_35 = tpu.vector_load %arg7[%swap3A] {strides = array<i32>} : memref<10000xf32, #tpu.memory_space<vmem>>, vector<16xf32>,
      tpu.vector_store %arg7[%swap3A], %broadcast_in_dim3A_1 {strides = array<i32>} : memref<10000xf32, #tpu.memory_space<vmem>>, vector<16xf32>,
    }
    %scan3A_8 = arith.constant 625 : i32
    %mul3A_9 = arith.constant 10000 : i32
    %mul3A_10 = arith.muli %add3A, %mul3A_9 : i32
    "tpu.region"() ({
      %run_scoped3A_32 = tpu.sem_alloc : memref<!tpu.dma_semaphore, #tpu.memory_space<semaphore_mem>>
      %dma_start3A = tpu.memref_slice %arg2[%mul3A_10] : memref<320000xi32, #tpu.memory_space<hbm>> -> memref<10000xi32, #tpu.memory_space<hbm>>
      %dma_start3A_33 = tpu.memref_slice %arg2[%mul3A_10] : memref<320000xi32, #tpu.memory_space<hbm>> -> memref<10000xi32, #tpu.memory_space<hbm>>
      tpu.enqueue_dma source(%dma_start3A_33 : memref<10000xi32, #tpu.memory_space<hbm>>) target(%arg6 : memref<10000xi32, #tpu.memory_space<vmem>>) target_semaphore(%run_scoped3A_32 : memref<!tpu.dma_semaphore, #tpu.memory_space<semaphore_mem>>)
      %dma_wait3A = tpu.memref_slice %arg2[%mul3A_10] : memref<320000xi32, #tpu.memory_space<hbm>> -> memref<10000xi32, #tpu.memory_space<hbm>>
      %dma_wait3A_34 = tpu.memref_slice %arg2[%mul3A_10] : memref<320000xi32, #tpu.memory_space<hbm>> -> memref<10000xi32, #tpu.memory_space<hbm>>
      tpu.wait_dma2 semaphore(%run_scoped3A_32 : memref<!tpu.dma_semaphore, #tpu.memory_space<semaphore_mem>>) src(%dma_wait3A_34 : memref<10000xi32, #tpu.memory_space<hbm>>) dst(%arg6 : memref<10000xi32, #tpu.memory_space<vmem>>)
      tpu.yield
    }) : () -> ()
    %scan3A_11 = arith.constant 0 : i32
    %scan3A_12 = arith.constant 0 : i32
    %scan3A_13 = arith.constant 625 : i32
    %scan3A_14 = arith.addi %scan3A_12, %scan3A_13 : i32
    %scan3A_15 = arith.constant 1 : i32
    scf.for %scan3A_32 = %scan3A_12 to %scan3A_14 step %scan3A_15  : i32 {
      %mul3A_33 = arith.constant 16 : i32
      %mul3A_34 = arith.muli %scan3A_32, %mul3A_33 : i32
      %get3A = arith.index_cast %mul3A_34 : i32 to index
      %get3A_35 = tpu.vector_load %arg6[%get3A] {strides = array<i32>} : memref<10000xi32, #tpu.memory_space<vmem>>, vector<16xi32>,
      tpu.vector_store_idx %arg7[%get3A_35], %broadcast_in_dim3A_3 {add = true} : memref<10000xf32, #tpu.memory_space<vmem>>[vector<16xi32>], vector<16xf32>,
    }
    %scan3A_16 = arith.constant 625 : i32
    %run_scoped3A = arith.constant 0 : i32
    "tpu.region"() ({
      %run_scoped3A_32 = tpu.sem_alloc : memref<!tpu.dma_semaphore, #tpu.memory_space<semaphore_mem>>
      %dma_start3A = arith.constant 0 : i32
      %dma_start3A_33 = tpu.memref_slice %arg4[%add3A, %run_scoped3A, %dma_start3A] : memref<32x1x10000xf32, #tpu.memory_space<hbm>> -> memref<1x1x10000xf32, #tpu.memory_space<hbm>>
      %dma_start3A_34 = tpu.memref_squeeze %dma_start3A_33 : memref<1x1x10000xf32, #tpu.memory_space<hbm>> -> memref<10000xf32, #tpu.memory_space<hbm>>
      %dma_start3A_35 = arith.constant 0 : i32
      %dma_start3A_36 = tpu.memref_slice %arg4[%add3A, %run_scoped3A, %dma_start3A_35] : memref<32x1x10000xf32, #tpu.memory_space<hbm>> -> memref<1x1x10000xf32, #tpu.memory_space<hbm>>
      %dma_start3A_37 = tpu.memref_squeeze %dma_start3A_36 : memref<1x1x10000xf32, #tpu.memory_space<hbm>> -> memref<10000xf32, #tpu.memory_space<hbm>>
      tpu.enqueue_dma source(%arg7 : memref<10000xf32, #tpu.memory_space<vmem>>) target(%dma_start3A_37 : memref<10000xf32, #tpu.memory_space<hbm>>) target_semaphore(%run_scoped3A_32 : memref<!tpu.dma_semaphore, #tpu.memory_space<semaphore_mem>>)
      %dma_wait3A = arith.constant 0 : i32
      %dma_wait3A_38 = tpu.memref_slice %arg4[%add3A, %run_scoped3A, %dma_wait3A] : memref<32x1x10000xf32, #tpu.memory_space<hbm>> -> memref<1x1x10000xf32, #tpu.memory_space<hbm>>
      %dma_wait3A_39 = tpu.memref_squeeze %dma_wait3A_38 : memref<1x1x10000xf32, #tpu.memory_space<hbm>> -> memref<10000xf32, #tpu.memory_space<hbm>>
      %dma_wait3A_40 = arith.constant 0 : i32
      %dma_wait3A_41 = tpu.memref_slice %arg4[%add3A, %run_scoped3A, %dma_wait3A_40] : memref<32x1x10000xf32, #tpu.memory_space<hbm>> -> memref<1x1x10000xf32, #tpu.memory_space<hbm>>
      %dma_wait3A_42 = tpu.memref_squeeze %dma_wait3A_41 : memref<1x1x10000xf32, #tpu.memory_space<hbm>> -> memref<10000xf32, #tpu.memory_space<hbm>>
      tpu.wait_dma2 semaphore(%run_scoped3A_32 : memref<!tpu.dma_semaphore, #tpu.memory_space<semaphore_mem>>) src(%arg7 : memref<10000xf32, #tpu.memory_space<vmem>>) dst(%dma_wait3A_42 : memref<10000xf32, #tpu.memory_space<hbm>>)
      tpu.yield
    }) : () -> ()
    %scan3A_17 = arith.constant 0 : i32
    %scan3A_18 = arith.constant 0 : i32
    %scan3A_19 = arith.constant 625 : i32
    %scan3A_20 = arith.addi %scan3A_18, %scan3A_19 : i32
    %scan3A_21 = arith.constant 1 : i32
    scf.for %scan3A_32 = %scan3A_18 to %scan3A_20 step %scan3A_21  : i32 {
      %mul3A_33 = arith.constant 16 : i32
      %mul3A_34 = arith.muli %scan3A_32, %mul3A_33 : i32
      %swap3A = arith.index_cast %mul3A_34 : i32 to index
      %swap3A_35 = tpu.vector_load %arg7[%swap3A] {strides = array<i32>} : memref<10000xf32, #tpu.memory_space<vmem>>, vector<16xf32>,
      tpu.vector_store %arg7[%swap3A], %broadcast_in_dim3A_1 {strides = array<i32>} : memref<10000xf32, #tpu.memory_space<vmem>>, vector<16xf32>,
    }
    %scan3A_22 = arith.constant 625 : i32
    %mul3A_23 = arith.constant 10000 : i32
    %mul3A_24 = arith.muli %add3A, %mul3A_23 : i32
    "tpu.region"() ({
      %run_scoped3A_32 = tpu.sem_alloc : memref<!tpu.dma_semaphore, #tpu.memory_space<semaphore_mem>>
      %dma_start3A = tpu.memref_slice %arg3[%mul3A_24] : memref<320000xi32, #tpu.memory_space<hbm>> -> memref<10000xi32, #tpu.memory_space<hbm>>
      %dma_start3A_33 = tpu.memref_slice %arg3[%mul3A_24] : memref<320000xi32, #tpu.memory_space<hbm>> -> memref<10000xi32, #tpu.memory_space<hbm>>
      tpu.enqueue_dma source(%dma_start3A_33 : memref<10000xi32, #tpu.memory_space<hbm>>) target(%arg6 : memref<10000xi32, #tpu.memory_space<vmem>>) target_semaphore(%run_scoped3A_32 : memref<!tpu.dma_semaphore, #tpu.memory_space<semaphore_mem>>)
      %dma_wait3A = tpu.memref_slice %arg3[%mul3A_24] : memref<320000xi32, #tpu.memory_space<hbm>> -> memref<10000xi32, #tpu.memory_space<hbm>>
      %dma_wait3A_34 = tpu.memref_slice %arg3[%mul3A_24] : memref<320000xi32, #tpu.memory_space<hbm>> -> memref<10000xi32, #tpu.memory_space<hbm>>
      tpu.wait_dma2 semaphore(%run_scoped3A_32 : memref<!tpu.dma_semaphore, #tpu.memory_space<semaphore_mem>>) src(%dma_wait3A_34 : memref<10000xi32, #tpu.memory_space<hbm>>) dst(%arg6 : memref<10000xi32, #tpu.memory_space<vmem>>)
      tpu.yield
    }) : () -> ()
    %scan3A_25 = arith.constant 0 : i32
    %scan3A_26 = arith.constant 0 : i32
    %scan3A_27 = arith.constant 625 : i32
    %scan3A_28 = arith.addi %scan3A_26, %scan3A_27 : i32
    %scan3A_29 = arith.constant 1 : i32
    scf.for %scan3A_32 = %scan3A_26 to %scan3A_28 step %scan3A_29  : i32 {
      %mul3A_33 = arith.constant 16 : i32
      %mul3A_34 = arith.muli %scan3A_32, %mul3A_33 : i32
      %get3A = arith.index_cast %mul3A_34 : i32 to index
      %get3A_35 = tpu.vector_load %arg6[%get3A] {strides = array<i32>} : memref<10000xi32, #tpu.memory_space<vmem>>, vector<16xi32>,
      tpu.vector_store_idx %arg7[%get3A_35], %broadcast_in_dim3A_3 {add = true} : memref<10000xf32, #tpu.memory_space<vmem>>[vector<16xi32>], vector<16xf32>,
    }
    %scan3A_30 = arith.constant 625 : i32
    %run_scoped3A_31 = arith.constant 0 : i32
    "tpu.region"() ({
      %run_scoped3A_32 = tpu.sem_alloc : memref<!tpu.dma_semaphore, #tpu.memory_space<semaphore_mem>>
      %dma_start3A = arith.constant 0 : i32
      %dma_start3A_33 = tpu.memref_slice %arg5[%add3A, %run_scoped3A_31, %dma_start3A] : memref<32x1x10000xf32, #tpu.memory_space<hbm>> -> memref<1x1x10000xf32, #tpu.memory_space<hbm>>
      %dma_start3A_34 = tpu.memref_squeeze %dma_start3A_33 : memref<1x1x10000xf32, #tpu.memory_space<hbm>> -> memref<10000xf32, #tpu.memory_space<hbm>>
      %dma_start3A_35 = arith.constant 0 : i32
      %dma_start3A_36 = tpu.memref_slice %arg5[%add3A, %run_scoped3A_31, %dma_start3A_35] : memref<32x1x10000xf32, #tpu.memory_space<hbm>> -> memref<1x1x10000xf32, #tpu.memory_space<hbm>>
      %dma_start3A_37 = tpu.memref_squeeze %dma_start3A_36 : memref<1x1x10000xf32, #tpu.memory_space<hbm>> -> memref<10000xf32, #tpu.memory_space<hbm>>
      tpu.enqueue_dma source(%arg7 : memref<10000xf32, #tpu.memory_space<vmem>>) target(%dma_start3A_37 : memref<10000xf32, #tpu.memory_space<hbm>>) target_semaphore(%run_scoped3A_32 : memref<!tpu.dma_semaphore, #tpu.memory_space<semaphore_mem>>)
      %dma_wait3A = arith.constant 0 : i32
      %dma_wait3A_38 = tpu.memref_slice %arg5[%add3A, %run_scoped3A_31, %dma_wait3A] : memref<32x1x10000xf32, #tpu.memory_space<hbm>> -> memref<1x1x10000xf32, #tpu.memory_space<hbm>>
      %dma_wait3A_39 = tpu.memref_squeeze %dma_wait3A_38 : memref<1x1x10000xf32, #tpu.memory_space<hbm>> -> memref<10000xf32, #tpu.memory_space<hbm>>
      %dma_wait3A_40 = arith.constant 0 : i32
      %dma_wait3A_41 = tpu.memref_slice %arg5[%add3A, %run_scoped3A_31, %dma_wait3A_40] : memref<32x1x10000xf32, #tpu.memory_space<hbm>> -> memref<1x1x10000xf32, #tpu.memory_space<hbm>>
      %dma_wait3A_42 = tpu.memref_squeeze %dma_wait3A_41 : memref<1x1x10000xf32, #tpu.memory_space<hbm>> -> memref<10000xf32, #tpu.memory_space<hbm>>
      tpu.wait_dma2 semaphore(%run_scoped3A_32 : memref<!tpu.dma_semaphore, #tpu.memory_space<semaphore_mem>>) src(%arg7 : memref<10000xf32, #tpu.memory_space<vmem>>) dst(%dma_wait3A_42 : memref<10000xf32, #tpu.memory_space<hbm>>)
      tpu.yield
    }) : () -> ()
    return
  }
}

#map = affine_map<(d0, d1) -> (0, 0)>
#map1 = affine_map<(d0, d1) -> (0)>
#map2 = affine_map<(d0, d1) -> (0, 0, 0)>
module attributes {stable_mosaic.version = 14 : i64} {
  func.func @body(%arg0: i32, %arg1: i32, %arg2: memref<10000x128xf32, #tpu.memory_space<hbm>>, %arg3: memref<322560xi32, #tpu.memory_space<hbm>>, %arg4: memref<322560xi32, #tpu.memory_space<hbm>>, %arg5: memref<10112x128xf32, #tpu.memory_space<hbm>>, %arg6: memref<2x10112x128xf32, #tpu.memory_space<hbm>>, %arg7: memref<96xi32, #tpu.memory_space<vmem>>, %arg8: memref<96xi32, #tpu.memory_space<vmem>>, %arg9: memref<96xi32, #tpu.memory_space<vmem>>, %arg10: memref<96xi32, #tpu.memory_space<vmem>>, %arg11: memref<96xi32, #tpu.memory_space<vmem>>, %arg12: memref<96xi32, #tpu.memory_space<vmem>>, %arg13: memref<96xi32, #tpu.memory_space<vmem>>, %arg14: memref<96xi32, #tpu.memory_space<vmem>>, %arg15: memref<96x128xf32, #tpu.memory_space<vmem>>, %arg16: memref<96x128xf32, #tpu.memory_space<vmem>>, %arg17: memref<96x128xf32, #tpu.memory_space<vmem>>, %arg18: memref<96x128xf32, #tpu.memory_space<vmem>>, %arg19: memref<10112x128xf32, #tpu.memory_space<vmem_shared>>, %arg20: memref<!tpu.dma_semaphore, #tpu.memory_space<semaphore_mem>>, %arg21: memref<!tpu.dma_semaphore, #tpu.memory_space<semaphore_mem>>, %arg22: memref<!tpu.dma_semaphore, #tpu.memory_space<semaphore_mem>>, %arg23: memref<!tpu.dma_semaphore, #tpu.memory_space<semaphore_mem>>, %arg24: memref<!tpu.dma_semaphore, #tpu.memory_space<semaphore_mem>>, %arg25: memref<!tpu.dma_semaphore, #tpu.memory_space<semaphore_mem>>, %arg26: memref<!tpu.dma_semaphore, #tpu.memory_space<semaphore_mem>>, %arg27: memref<!tpu.dma_semaphore, #tpu.memory_space<semaphore_mem>>, %arg28: memref<!tpu.dma_semaphore, #tpu.memory_space<semaphore_mem>>, %arg29: memref<!tpu.dma_semaphore, #tpu.memory_space<semaphore_mem>>, %arg30: memref<!tpu.dma_semaphore, #tpu.memory_space<semaphore_mem>>, %arg31: memref<!tpu.dma_semaphore, #tpu.memory_space<semaphore_mem>>, %arg32: memref<!tpu.dma_semaphore, #tpu.memory_space<semaphore_mem>>, %arg33: memref<!tpu.dma_semaphore, #tpu.memory_space<semaphore_mem>>, %arg34: memref<!tpu.dma_semaphore, #tpu.memory_space<semaphore_mem>>, %arg35: memref<!tpu.dma_semaphore, #tpu.memory_space<semaphore_mem>>) attributes {dimension_semantics = [#tpu.dimension_semantics<core_parallel>, #tpu.dimension_semantics<subcore_parallel>], iteration_bounds = array<i64: 2, 16>, scalar_prefetch = 0 : i64, scratch_operands = 29 : i64, tpu.core_type = #tpu.core_type<sc_vector_subcore>, window_params = [{transform_indices = #map}, {transform_indices = #map1}, {transform_indices = #map1}, {transform_indices = #map}, {transform_indices = #map2}]} {
    %mul3A = arith.constant 16 : i32
    %mul3A_0 = arith.muli %arg0, %mul3A : i32
    %add3A = arith.addi %mul3A_0, %arg1 : i32
    %mul3A_1 = arith.constant 10080 : i32
    %mul3A_2 = arith.muli %add3A, %mul3A_1 : i32
    %add3A_3 = arith.constant 0 : i32
    %add3A_4 = arith.addi %mul3A_2, %add3A_3 : i32
    %dma_start3A = tpu.memref_slice %arg3[%add3A_4] : memref<322560xi32, #tpu.memory_space<hbm>> -> memref<96xi32, #tpu.memory_space<hbm>>
    %dma_start3A_5 = tpu.memref_slice %arg3[%add3A_4] : memref<322560xi32, #tpu.memory_space<hbm>> -> memref<96xi32, #tpu.memory_space<hbm>>
    tpu.enqueue_dma source(%dma_start3A_5 : memref<96xi32, #tpu.memory_space<hbm>>) target(%arg7 : memref<96xi32, #tpu.memory_space<vmem>>) target_semaphore(%arg28 : memref<!tpu.dma_semaphore, #tpu.memory_space<semaphore_mem>>)
    %mul3A_6 = arith.constant 10080 : i32
    %mul3A_7 = arith.muli %add3A, %mul3A_6 : i32
    %add3A_8 = arith.constant 96 : i32
    %add3A_9 = arith.addi %mul3A_7, %add3A_8 : i32
    %dma_start3A_10 = tpu.memref_slice %arg3[%add3A_9] : memref<322560xi32, #tpu.memory_space<hbm>> -> memref<96xi32, #tpu.memory_space<hbm>>
    %dma_start3A_11 = tpu.memref_slice %arg3[%add3A_9] : memref<322560xi32, #tpu.memory_space<hbm>> -> memref<96xi32, #tpu.memory_space<hbm>>
    tpu.enqueue_dma source(%dma_start3A_11 : memref<96xi32, #tpu.memory_space<hbm>>) target(%arg8 : memref<96xi32, #tpu.memory_space<vmem>>) target_semaphore(%arg29 : memref<!tpu.dma_semaphore, #tpu.memory_space<semaphore_mem>>)
    %mul3A_12 = arith.constant 10080 : i32
    %mul3A_13 = arith.muli %add3A, %mul3A_12 : i32
    %add3A_14 = arith.constant 192 : i32
    %add3A_15 = arith.addi %mul3A_13, %add3A_14 : i32
    %dma_start3A_16 = tpu.memref_slice %arg3[%add3A_15] : memref<322560xi32, #tpu.memory_space<hbm>> -> memref<96xi32, #tpu.memory_space<hbm>>
    %dma_start3A_17 = tpu.memref_slice %arg3[%add3A_15] : memref<322560xi32, #tpu.memory_space<hbm>> -> memref<96xi32, #tpu.memory_space<hbm>>
    tpu.enqueue_dma source(%dma_start3A_17 : memref<96xi32, #tpu.memory_space<hbm>>) target(%arg9 : memref<96xi32, #tpu.memory_space<vmem>>) target_semaphore(%arg30 : memref<!tpu.dma_semaphore, #tpu.memory_space<semaphore_mem>>)
    %mul3A_18 = arith.constant 10080 : i32
    %mul3A_19 = arith.muli %add3A, %mul3A_18 : i32
    %add3A_20 = arith.constant 288 : i32
    %add3A_21 = arith.addi %mul3A_19, %add3A_20 : i32
    %dma_start3A_22 = tpu.memref_slice %arg3[%add3A_21] : memref<322560xi32, #tpu.memory_space<hbm>> -> memref<96xi32, #tpu.memory_space<hbm>>
    %dma_start3A_23 = tpu.memref_slice %arg3[%add3A_21] : memref<322560xi32, #tpu.memory_space<hbm>> -> memref<96xi32, #tpu.memory_space<hbm>>
    tpu.enqueue_dma source(%dma_start3A_23 : memref<96xi32, #tpu.memory_space<hbm>>) target(%arg10 : memref<96xi32, #tpu.memory_space<vmem>>) target_semaphore(%arg31 : memref<!tpu.dma_semaphore, #tpu.memory_space<semaphore_mem>>)
    %mul3A_24 = arith.constant 10080 : i32
    %mul3A_25 = arith.muli %add3A, %mul3A_24 : i32
    %add3A_26 = arith.constant 0 : i32
    %add3A_27 = arith.addi %mul3A_25, %add3A_26 : i32
    %dma_start3A_28 = tpu.memref_slice %arg4[%add3A_27] : memref<322560xi32, #tpu.memory_space<hbm>> -> memref<96xi32, #tpu.memory_space<hbm>>
    %dma_start3A_29 = tpu.memref_slice %arg4[%add3A_27] : memref<322560xi32, #tpu.memory_space<hbm>> -> memref<96xi32, #tpu.memory_space<hbm>>
    tpu.enqueue_dma source(%dma_start3A_29 : memref<96xi32, #tpu.memory_space<hbm>>) target(%arg11 : memref<96xi32, #tpu.memory_space<vmem>>) target_semaphore(%arg32 : memref<!tpu.dma_semaphore, #tpu.memory_space<semaphore_mem>>)
    %mul3A_30 = arith.constant 10080 : i32
    %mul3A_31 = arith.muli %add3A, %mul3A_30 : i32
    %add3A_32 = arith.constant 96 : i32
    %add3A_33 = arith.addi %mul3A_31, %add3A_32 : i32
    %dma_start3A_34 = tpu.memref_slice %arg4[%add3A_33] : memref<322560xi32, #tpu.memory_space<hbm>> -> memref<96xi32, #tpu.memory_space<hbm>>
    %dma_start3A_35 = tpu.memref_slice %arg4[%add3A_33] : memref<322560xi32, #tpu.memory_space<hbm>> -> memref<96xi32, #tpu.memory_space<hbm>>
    tpu.enqueue_dma source(%dma_start3A_35 : memref<96xi32, #tpu.memory_space<hbm>>) target(%arg12 : memref<96xi32, #tpu.memory_space<vmem>>) target_semaphore(%arg33 : memref<!tpu.dma_semaphore, #tpu.memory_space<semaphore_mem>>)
    %mul3A_36 = arith.constant 10080 : i32
    %mul3A_37 = arith.muli %add3A, %mul3A_36 : i32
    %add3A_38 = arith.constant 0 : i32
    %add3A_39 = arith.addi %mul3A_37, %add3A_38 : i32
    %dma_wait3A = tpu.memref_slice %arg3[%add3A_39] : memref<322560xi32, #tpu.memory_space<hbm>> -> memref<96xi32, #tpu.memory_space<hbm>>
    %dma_wait3A_40 = tpu.memref_slice %arg3[%add3A_39] : memref<322560xi32, #tpu.memory_space<hbm>> -> memref<96xi32, #tpu.memory_space<hbm>>
    tpu.wait_dma2 semaphore(%arg28 : memref<!tpu.dma_semaphore, #tpu.memory_space<semaphore_mem>>) src(%dma_wait3A_40 : memref<96xi32, #tpu.memory_space<hbm>>) dst(%arg7 : memref<96xi32, #tpu.memory_space<vmem>>)
    %dma_start3A_41 = arith.constant 0 : i32
    %dma_start3A_42 = arith.constant 0 : i32
    %dma_start3A_43 = tpu.memref_slice %arg2[%dma_start3A_41, %dma_start3A_42] : memref<10000x128xf32, #tpu.memory_space<hbm>> -> memref<10000x128xf32, #tpu.memory_space<hbm>>
    tpu.enqueue_indirect_dma source(%dma_start3A_43 : memref<10000x128xf32, #tpu.memory_space<hbm>>) target(%arg15 : memref<96x128xf32, #tpu.memory_space<vmem>>) offsets(%arg7 : memref<96xi32, #tpu.memory_space<vmem>>) semaphore(%arg20 : memref<!tpu.dma_semaphore, #tpu.memory_space<semaphore_mem>>)
    %mul3A_44 = arith.constant 10080 : i32
    %mul3A_45 = arith.muli %add3A, %mul3A_44 : i32
    %add3A_46 = arith.constant 96 : i32
    %add3A_47 = arith.addi %mul3A_45, %add3A_46 : i32
    %dma_wait3A_48 = tpu.memref_slice %arg3[%add3A_47] : memref<322560xi32, #tpu.memory_space<hbm>> -> memref<96xi32, #tpu.memory_space<hbm>>
    %dma_wait3A_49 = tpu.memref_slice %arg3[%add3A_47] : memref<322560xi32, #tpu.memory_space<hbm>> -> memref<96xi32, #tpu.memory_space<hbm>>
    tpu.wait_dma2 semaphore(%arg29 : memref<!tpu.dma_semaphore, #tpu.memory_space<semaphore_mem>>) src(%dma_wait3A_49 : memref<96xi32, #tpu.memory_space<hbm>>) dst(%arg8 : memref<96xi32, #tpu.memory_space<vmem>>)
    %dma_start3A_50 = arith.constant 0 : i32
    %dma_start3A_51 = arith.constant 0 : i32
    %dma_start3A_52 = tpu.memref_slice %arg2[%dma_start3A_50, %dma_start3A_51] : memref<10000x128xf32, #tpu.memory_space<hbm>> -> memref<10000x128xf32, #tpu.memory_space<hbm>>
    tpu.enqueue_indirect_dma source(%dma_start3A_52 : memref<10000x128xf32, #tpu.memory_space<hbm>>) target(%arg16 : memref<96x128xf32, #tpu.memory_space<vmem>>) offsets(%arg8 : memref<96xi32, #tpu.memory_space<vmem>>) semaphore(%arg21 : memref<!tpu.dma_semaphore, #tpu.memory_space<semaphore_mem>>)
    %mul3A_53 = arith.constant 632 : i32
    %mul3A_54 = arith.muli %arg1, %mul3A_53 : i32
    %mul3A_55 = arith.constant 632 : i32
    %mul3A_56 = arith.muli %arg1, %mul3A_55 : i32
    "tpu.region"() ({
      %run_scoped3A = tpu.sem_alloc : memref<!tpu.dma_semaphore, #tpu.memory_space<semaphore_mem>>
      %dma_start3A_88 = arith.constant 0 : i32
      %dma_start3A_89 = tpu.memref_slice %arg19[%mul3A_56, %dma_start3A_88] : memref<10112x128xf32, #tpu.memory_space<vmem_shared>> -> memref<632x128xf32, #tpu.memory_space<vmem_shared>>
      %dma_start3A_90 = arith.constant 0 : i32
      %dma_start3A_91 = tpu.memref_slice %arg5[%mul3A_54, %dma_start3A_90] : memref<10112x128xf32, #tpu.memory_space<hbm>> -> memref<632x128xf32, #tpu.memory_space<hbm>>
      tpu.enqueue_dma source(%dma_start3A_91 : memref<632x128xf32, #tpu.memory_space<hbm>>) target(%dma_start3A_89 : memref<632x128xf32, #tpu.memory_space<vmem_shared>>) target_semaphore(%run_scoped3A : memref<!tpu.dma_semaphore, #tpu.memory_space<semaphore_mem>>)
      %dma_wait3A_92 = arith.constant 0 : i32
      %dma_wait3A_93 = tpu.memref_slice %arg19[%mul3A_56, %dma_wait3A_92] : memref<10112x128xf32, #tpu.memory_space<vmem_shared>> -> memref<632x128xf32, #tpu.memory_space<vmem_shared>>
      %dma_wait3A_94 = arith.constant 0 : i32
      %dma_wait3A_95 = tpu.memref_slice %arg5[%mul3A_54, %dma_wait3A_94] : memref<10112x128xf32, #tpu.memory_space<hbm>> -> memref<632x128xf32, #tpu.memory_space<hbm>>
      tpu.wait_dma2 semaphore(%run_scoped3A : memref<!tpu.dma_semaphore, #tpu.memory_space<semaphore_mem>>) src(%dma_wait3A_95 : memref<632x128xf32, #tpu.memory_space<hbm>>) dst(%dma_wait3A_93 : memref<632x128xf32, #tpu.memory_space<vmem_shared>>)
      tpu.yield
    }) : () -> ()
    %barrier3A = arith.constant 0 : index
    tpu.barrier barrier_id(%barrier3A)
    %scan3A = arith.constant 0 : i32
    %scan3A_57 = arith.constant 0 : i32
    %scan3A_58 = arith.constant 26 : i32
    %scan3A_59 = arith.addi %scan3A_57, %scan3A_58 : i32
    %scan3A_60 = arith.constant 1 : i32
    scf.for %scan3A_88 = %scan3A_57 to %scan3A_59 step %scan3A_60  : i32 {
      %mul3A_89 = arith.constant 4 : i32
      %mul3A_90 = arith.muli %scan3A_88, %mul3A_89 : i32
      %add3A_91 = arith.constant 0 : i32
      %add3A_92 = arith.addi %mul3A_90, %add3A_91 : i32
      %dma_wait3A_93 = arith.constant 0 : i32
      %dma_wait3A_94 = arith.constant 0 : i32
      %dma_wait3A_95 = tpu.memref_slice %arg2[%dma_wait3A_93, %dma_wait3A_94] : memref<10000x128xf32, #tpu.memory_space<hbm>> -> memref<10000x128xf32, #tpu.memory_space<hbm>>
      tpu.wait_indirect_dma semaphore(%arg20 : memref<!tpu.dma_semaphore, #tpu.memory_space<semaphore_mem>>) src(%dma_wait3A_95 : memref<10000x128xf32, #tpu.memory_space<hbm>>) dst(%arg15 : memref<96x128xf32, #tpu.memory_space<vmem>>)
      %mul3A_96 = arith.constant 10080 : i32
      %mul3A_97 = arith.muli %add3A, %mul3A_96 : i32
      %mul3A_98 = arith.constant 96 : i32
      %mul3A_99 = arith.muli %add3A_92, %mul3A_98 : i32
      %add3A_100 = arith.addi %mul3A_97, %mul3A_99 : i32
      %dma_wait3A_101 = tpu.memref_slice %arg4[%add3A_100] : memref<322560xi32, #tpu.memory_space<hbm>> -> memref<96xi32, #tpu.memory_space<hbm>>
      %dma_wait3A_102 = tpu.memref_slice %arg4[%add3A_100] : memref<322560xi32, #tpu.memory_space<hbm>> -> memref<96xi32, #tpu.memory_space<hbm>>
      tpu.wait_dma2 semaphore(%arg32 : memref<!tpu.dma_semaphore, #tpu.memory_space<semaphore_mem>>) src(%dma_wait3A_102 : memref<96xi32, #tpu.memory_space<hbm>>) dst(%arg11 : memref<96xi32, #tpu.memory_space<vmem>>)
      %dma_start3A_103 = arith.constant 0 : i32
      %dma_start3A_104 = arith.constant 0 : i32
      %dma_start3A_105 = tpu.memref_slice %arg19[%dma_start3A_103, %dma_start3A_104] : memref<10112x128xf32, #tpu.memory_space<vmem_shared>> -> memref<10112x128xf32, #tpu.memory_space<vmem_shared>>
      tpu.enqueue_indirect_dma source(%arg15 : memref<96x128xf32, #tpu.memory_space<vmem>>) target(%dma_start3A_105 : memref<10112x128xf32, #tpu.memory_space<vmem_shared>>) offsets(%arg11 : memref<96xi32, #tpu.memory_space<vmem>>) semaphore(%arg24 : memref<!tpu.dma_semaphore, #tpu.memory_space<semaphore_mem>>) {add = true}
      %ge3A = arith.constant 2 : i32
      %ge3A_106 = arith.cmpi sge, %add3A_92, %ge3A : i32
      %convert_element_type3A = arith.extui %ge3A_106 : i1 to i32
      %cond3A = arith.constant 0 : i32
      %cond3A_107 = arith.cmpi ne, %convert_element_type3A, %cond3A : i32
      scf.if %cond3A_107 {
        %dma_wait3A_229 = arith.constant 0 : i32
        %dma_wait3A_230 = arith.constant 0 : i32
        %dma_wait3A_231 = tpu.memref_slice %arg19[%dma_wait3A_229, %dma_wait3A_230] : memref<10112x128xf32, #tpu.memory_space<vmem_shared>> -> memref<10112x128xf32, #tpu.memory_space<vmem_shared>>
        tpu.wait_indirect_dma semaphore(%arg26 : memref<!tpu.dma_semaphore, #tpu.memory_space<semaphore_mem>>) src(%arg17 : memref<96x128xf32, #tpu.memory_space<vmem>>) dst(%dma_wait3A_231 : memref<10112x128xf32, #tpu.memory_space<vmem_shared>>)
      } else {
      }
      %add3A_108 = arith.constant 2 : i32
      %add3A_109 = arith.addi %add3A_92, %add3A_108 : i32
      %lt3A = arith.constant 105 : i32
      %lt3A_110 = arith.cmpi slt, %add3A_109, %lt3A : i32
      %convert_element_type3A_111 = arith.extui %lt3A_110 : i1 to i32
      %cond3A_112 = arith.constant 0 : i32
      %cond3A_113 = arith.cmpi ne, %convert_element_type3A_111, %cond3A_112 : i32
      scf.if %cond3A_113 {
        %add3A_229 = arith.constant 2 : i32
        %add3A_230 = arith.addi %add3A_92, %add3A_229 : i32
        %mul3A_231 = arith.constant 10080 : i32
        %mul3A_232 = arith.muli %add3A, %mul3A_231 : i32
        %mul3A_233 = arith.constant 96 : i32
        %mul3A_234 = arith.muli %add3A_230, %mul3A_233 : i32
        %add3A_235 = arith.addi %mul3A_232, %mul3A_234 : i32
        %dma_start3A_236 = tpu.memref_slice %arg4[%add3A_235] : memref<322560xi32, #tpu.memory_space<hbm>> -> memref<96xi32, #tpu.memory_space<hbm>>
        %dma_start3A_237 = tpu.memref_slice %arg4[%add3A_235] : memref<322560xi32, #tpu.memory_space<hbm>> -> memref<96xi32, #tpu.memory_space<hbm>>
        tpu.enqueue_dma source(%dma_start3A_237 : memref<96xi32, #tpu.memory_space<hbm>>) target(%arg13 : memref<96xi32, #tpu.memory_space<vmem>>) target_semaphore(%arg34 : memref<!tpu.dma_semaphore, #tpu.memory_space<semaphore_mem>>)
        %add3A_238 = arith.constant 2 : i32
        %add3A_239 = arith.addi %add3A_92, %add3A_238 : i32
        %mul3A_240 = arith.constant 10080 : i32
        %mul3A_241 = arith.muli %add3A, %mul3A_240 : i32
        %mul3A_242 = arith.constant 96 : i32
        %mul3A_243 = arith.muli %add3A_239, %mul3A_242 : i32
        %add3A_244 = arith.addi %mul3A_241, %mul3A_243 : i32
        %dma_wait3A_245 = tpu.memref_slice %arg3[%add3A_244] : memref<322560xi32, #tpu.memory_space<hbm>> -> memref<96xi32, #tpu.memory_space<hbm>>
        %dma_wait3A_246 = tpu.memref_slice %arg3[%add3A_244] : memref<322560xi32, #tpu.memory_space<hbm>> -> memref<96xi32, #tpu.memory_space<hbm>>
        tpu.wait_dma2 semaphore(%arg30 : memref<!tpu.dma_semaphore, #tpu.memory_space<semaphore_mem>>) src(%dma_wait3A_246 : memref<96xi32, #tpu.memory_space<hbm>>) dst(%arg9 : memref<96xi32, #tpu.memory_space<vmem>>)
        %add3A_247 = arith.constant 2 : i32
        %add3A_248 = arith.addi %add3A_92, %add3A_247 : i32
        %dma_start3A_249 = arith.constant 0 : i32
        %dma_start3A_250 = arith.constant 0 : i32
        %dma_start3A_251 = tpu.memref_slice %arg2[%dma_start3A_249, %dma_start3A_250] : memref<10000x128xf32, #tpu.memory_space<hbm>> -> memref<10000x128xf32, #tpu.memory_space<hbm>>
        tpu.enqueue_indirect_dma source(%dma_start3A_251 : memref<10000x128xf32, #tpu.memory_space<hbm>>) target(%arg17 : memref<96x128xf32, #tpu.memory_space<vmem>>) offsets(%arg9 : memref<96xi32, #tpu.memory_space<vmem>>) semaphore(%arg22 : memref<!tpu.dma_semaphore, #tpu.memory_space<semaphore_mem>>)
      } else {
      }
      %add3A_114 = arith.constant 4 : i32
      %add3A_115 = arith.addi %add3A_92, %add3A_114 : i32
      %lt3A_116 = arith.constant 105 : i32
      %lt3A_117 = arith.cmpi slt, %add3A_115, %lt3A_116 : i32
      %convert_element_type3A_118 = arith.extui %lt3A_117 : i1 to i32
      %cond3A_119 = arith.constant 0 : i32
      %cond3A_120 = arith.cmpi ne, %convert_element_type3A_118, %cond3A_119 : i32
      scf.if %cond3A_120 {
        %add3A_229 = arith.constant 4 : i32
        %add3A_230 = arith.addi %add3A_92, %add3A_229 : i32
        %mul3A_231 = arith.constant 10080 : i32
        %mul3A_232 = arith.muli %add3A, %mul3A_231 : i32
        %mul3A_233 = arith.constant 96 : i32
        %mul3A_234 = arith.muli %add3A_230, %mul3A_233 : i32
        %add3A_235 = arith.addi %mul3A_232, %mul3A_234 : i32
        %dma_start3A_236 = tpu.memref_slice %arg3[%add3A_235] : memref<322560xi32, #tpu.memory_space<hbm>> -> memref<96xi32, #tpu.memory_space<hbm>>
        %dma_start3A_237 = tpu.memref_slice %arg3[%add3A_235] : memref<322560xi32, #tpu.memory_space<hbm>> -> memref<96xi32, #tpu.memory_space<hbm>>
        tpu.enqueue_dma source(%dma_start3A_237 : memref<96xi32, #tpu.memory_space<hbm>>) target(%arg7 : memref<96xi32, #tpu.memory_space<vmem>>) target_semaphore(%arg28 : memref<!tpu.dma_semaphore, #tpu.memory_space<semaphore_mem>>)
      } else {
      }
      %mul3A_121 = arith.constant 4 : i32
      %mul3A_122 = arith.muli %scan3A_88, %mul3A_121 : i32
      %add3A_123 = arith.constant 1 : i32
      %add3A_124 = arith.addi %mul3A_122, %add3A_123 : i32
      %dma_wait3A_125 = arith.constant 0 : i32
      %dma_wait3A_126 = arith.constant 0 : i32
      %dma_wait3A_127 = tpu.memref_slice %arg2[%dma_wait3A_125, %dma_wait3A_126] : memref<10000x128xf32, #tpu.memory_space<hbm>> -> memref<10000x128xf32, #tpu.memory_space<hbm>>
      tpu.wait_indirect_dma semaphore(%arg21 : memref<!tpu.dma_semaphore, #tpu.memory_space<semaphore_mem>>) src(%dma_wait3A_127 : memref<10000x128xf32, #tpu.memory_space<hbm>>) dst(%arg16 : memref<96x128xf32, #tpu.memory_space<vmem>>)
      %mul3A_128 = arith.constant 10080 : i32
      %mul3A_129 = arith.muli %add3A, %mul3A_128 : i32
      %mul3A_130 = arith.constant 96 : i32
      %mul3A_131 = arith.muli %add3A_124, %mul3A_130 : i32
      %add3A_132 = arith.addi %mul3A_129, %mul3A_131 : i32
      %dma_wait3A_133 = tpu.memref_slice %arg4[%add3A_132] : memref<322560xi32, #tpu.memory_space<hbm>> -> memref<96xi32, #tpu.memory_space<hbm>>
      %dma_wait3A_134 = tpu.memref_slice %arg4[%add3A_132] : memref<322560xi32, #tpu.memory_space<hbm>> -> memref<96xi32, #tpu.memory_space<hbm>>
      tpu.wait_dma2 semaphore(%arg33 : memref<!tpu.dma_semaphore, #tpu.memory_space<semaphore_mem>>) src(%dma_wait3A_134 : memref<96xi32, #tpu.memory_space<hbm>>) dst(%arg12 : memref<96xi32, #tpu.memory_space<vmem>>)
      %dma_start3A_135 = arith.constant 0 : i32
      %dma_start3A_136 = arith.constant 0 : i32
      %dma_start3A_137 = tpu.memref_slice %arg19[%dma_start3A_135, %dma_start3A_136] : memref<10112x128xf32, #tpu.memory_space<vmem_shared>> -> memref<10112x128xf32, #tpu.memory_space<vmem_shared>>
      tpu.enqueue_indirect_dma source(%arg16 : memref<96x128xf32, #tpu.memory_space<vmem>>) target(%dma_start3A_137 : memref<10112x128xf32, #tpu.memory_space<vmem_shared>>) offsets(%arg12 : memref<96xi32, #tpu.memory_space<vmem>>) semaphore(%arg25 : memref<!tpu.dma_semaphore, #tpu.memory_space<semaphore_mem>>) {add = true}
      %ge3A_138 = arith.constant 2 : i32
      %ge3A_139 = arith.cmpi sge, %add3A_124, %ge3A_138 : i32
      %convert_element_type3A_140 = arith.extui %ge3A_139 : i1 to i32
      %cond3A_141 = arith.constant 0 : i32
      %cond3A_142 = arith.cmpi ne, %convert_element_type3A_140, %cond3A_141 : i32
      scf.if %cond3A_142 {
        %dma_wait3A_229 = arith.constant 0 : i32
        %dma_wait3A_230 = arith.constant 0 : i32
        %dma_wait3A_231 = tpu.memref_slice %arg19[%dma_wait3A_229, %dma_wait3A_230] : memref<10112x128xf32, #tpu.memory_space<vmem_shared>> -> memref<10112x128xf32, #tpu.memory_space<vmem_shared>>
        tpu.wait_indirect_dma semaphore(%arg27 : memref<!tpu.dma_semaphore, #tpu.memory_space<semaphore_mem>>) src(%arg18 : memref<96x128xf32, #tpu.memory_space<vmem>>) dst(%dma_wait3A_231 : memref<10112x128xf32, #tpu.memory_space<vmem_shared>>)
      } else {
      }
      %add3A_143 = arith.constant 2 : i32
      %add3A_144 = arith.addi %add3A_124, %add3A_143 : i32
      %lt3A_145 = arith.constant 105 : i32
      %lt3A_146 = arith.cmpi slt, %add3A_144, %lt3A_145 : i32
      %convert_element_type3A_147 = arith.extui %lt3A_146 : i1 to i32
      %cond3A_148 = arith.constant 0 : i32
      %cond3A_149 = arith.cmpi ne, %convert_element_type3A_147, %cond3A_148 : i32
      scf.if %cond3A_149 {
        %add3A_229 = arith.constant 2 : i32
        %add3A_230 = arith.addi %add3A_124, %add3A_229 : i32
        %mul3A_231 = arith.constant 10080 : i32
        %mul3A_232 = arith.muli %add3A, %mul3A_231 : i32
        %mul3A_233 = arith.constant 96 : i32
        %mul3A_234 = arith.muli %add3A_230, %mul3A_233 : i32
        %add3A_235 = arith.addi %mul3A_232, %mul3A_234 : i32
        %dma_start3A_236 = tpu.memref_slice %arg4[%add3A_235] : memref<322560xi32, #tpu.memory_space<hbm>> -> memref<96xi32, #tpu.memory_space<hbm>>
        %dma_start3A_237 = tpu.memref_slice %arg4[%add3A_235] : memref<322560xi32, #tpu.memory_space<hbm>> -> memref<96xi32, #tpu.memory_space<hbm>>
        tpu.enqueue_dma source(%dma_start3A_237 : memref<96xi32, #tpu.memory_space<hbm>>) target(%arg14 : memref<96xi32, #tpu.memory_space<vmem>>) target_semaphore(%arg35 : memref<!tpu.dma_semaphore, #tpu.memory_space<semaphore_mem>>)
        %add3A_238 = arith.constant 2 : i32
        %add3A_239 = arith.addi %add3A_124, %add3A_238 : i32
        %mul3A_240 = arith.constant 10080 : i32
        %mul3A_241 = arith.muli %add3A, %mul3A_240 : i32
        %mul3A_242 = arith.constant 96 : i32
        %mul3A_243 = arith.muli %add3A_239, %mul3A_242 : i32
        %add3A_244 = arith.addi %mul3A_241, %mul3A_243 : i32
        %dma_wait3A_245 = tpu.memref_slice %arg3[%add3A_244] : memref<322560xi32, #tpu.memory_space<hbm>> -> memref<96xi32, #tpu.memory_space<hbm>>
        %dma_wait3A_246 = tpu.memref_slice %arg3[%add3A_244] : memref<322560xi32, #tpu.memory_space<hbm>> -> memref<96xi32, #tpu.memory_space<hbm>>
        tpu.wait_dma2 semaphore(%arg31 : memref<!tpu.dma_semaphore, #tpu.memory_space<semaphore_mem>>) src(%dma_wait3A_246 : memref<96xi32, #tpu.memory_space<hbm>>) dst(%arg10 : memref<96xi32, #tpu.memory_space<vmem>>)
        %add3A_247 = arith.constant 2 : i32
        %add3A_248 = arith.addi %add3A_124, %add3A_247 : i32
        %dma_start3A_249 = arith.constant 0 : i32
        %dma_start3A_250 = arith.constant 0 : i32
        %dma_start3A_251 = tpu.memref_slice %arg2[%dma_start3A_249, %dma_start3A_250] : memref<10000x128xf32, #tpu.memory_space<hbm>> -> memref<10000x128xf32, #tpu.memory_space<hbm>>
        tpu.enqueue_indirect_dma source(%dma_start3A_251 : memref<10000x128xf32, #tpu.memory_space<hbm>>) target(%arg18 : memref<96x128xf32, #tpu.memory_space<vmem>>) offsets(%arg10 : memref<96xi32, #tpu.memory_space<vmem>>) semaphore(%arg23 : memref<!tpu.dma_semaphore, #tpu.memory_space<semaphore_mem>>)
      } else {
      }
      %add3A_150 = arith.constant 4 : i32
      %add3A_151 = arith.addi %add3A_124, %add3A_150 : i32
      %lt3A_152 = arith.constant 105 : i32
      %lt3A_153 = arith.cmpi slt, %add3A_151, %lt3A_152 : i32
      %convert_element_type3A_154 = arith.extui %lt3A_153 : i1 to i32
      %cond3A_155 = arith.constant 0 : i32
      %cond3A_156 = arith.cmpi ne, %convert_element_type3A_154, %cond3A_155 : i32
      scf.if %cond3A_156 {
        %add3A_229 = arith.constant 4 : i32
        %add3A_230 = arith.addi %add3A_124, %add3A_229 : i32
        %mul3A_231 = arith.constant 10080 : i32
        %mul3A_232 = arith.muli %add3A, %mul3A_231 : i32
        %mul3A_233 = arith.constant 96 : i32
        %mul3A_234 = arith.muli %add3A_230, %mul3A_233 : i32
        %add3A_235 = arith.addi %mul3A_232, %mul3A_234 : i32
        %dma_start3A_236 = tpu.memref_slice %arg3[%add3A_235] : memref<322560xi32, #tpu.memory_space<hbm>> -> memref<96xi32, #tpu.memory_space<hbm>>
        %dma_start3A_237 = tpu.memref_slice %arg3[%add3A_235] : memref<322560xi32, #tpu.memory_space<hbm>> -> memref<96xi32, #tpu.memory_space<hbm>>
        tpu.enqueue_dma source(%dma_start3A_237 : memref<96xi32, #tpu.memory_space<hbm>>) target(%arg8 : memref<96xi32, #tpu.memory_space<vmem>>) target_semaphore(%arg29 : memref<!tpu.dma_semaphore, #tpu.memory_space<semaphore_mem>>)
      } else {
      }
      %mul3A_157 = arith.constant 4 : i32
      %mul3A_158 = arith.muli %scan3A_88, %mul3A_157 : i32
      %add3A_159 = arith.constant 2 : i32
      %add3A_160 = arith.addi %mul3A_158, %add3A_159 : i32
      %dma_wait3A_161 = arith.constant 0 : i32
      %dma_wait3A_162 = arith.constant 0 : i32
      %dma_wait3A_163 = tpu.memref_slice %arg2[%dma_wait3A_161, %dma_wait3A_162] : memref<10000x128xf32, #tpu.memory_space<hbm>> -> memref<10000x128xf32, #tpu.memory_space<hbm>>
      tpu.wait_indirect_dma semaphore(%arg22 : memref<!tpu.dma_semaphore, #tpu.memory_space<semaphore_mem>>) src(%dma_wait3A_163 : memref<10000x128xf32, #tpu.memory_space<hbm>>) dst(%arg17 : memref<96x128xf32, #tpu.memory_space<vmem>>)
      %mul3A_164 = arith.constant 10080 : i32
      %mul3A_165 = arith.muli %add3A, %mul3A_164 : i32
      %mul3A_166 = arith.constant 96 : i32
      %mul3A_167 = arith.muli %add3A_160, %mul3A_166 : i32
      %add3A_168 = arith.addi %mul3A_165, %mul3A_167 : i32
      %dma_wait3A_169 = tpu.memref_slice %arg4[%add3A_168] : memref<322560xi32, #tpu.memory_space<hbm>> -> memref<96xi32, #tpu.memory_space<hbm>>
      %dma_wait3A_170 = tpu.memref_slice %arg4[%add3A_168] : memref<322560xi32, #tpu.memory_space<hbm>> -> memref<96xi32, #tpu.memory_space<hbm>>
      tpu.wait_dma2 semaphore(%arg34 : memref<!tpu.dma_semaphore, #tpu.memory_space<semaphore_mem>>) src(%dma_wait3A_170 : memref<96xi32, #tpu.memory_space<hbm>>) dst(%arg13 : memref<96xi32, #tpu.memory_space<vmem>>)
      %dma_start3A_171 = arith.constant 0 : i32
      %dma_start3A_172 = arith.constant 0 : i32
      %dma_start3A_173 = tpu.memref_slice %arg19[%dma_start3A_171, %dma_start3A_172] : memref<10112x128xf32, #tpu.memory_space<vmem_shared>> -> memref<10112x128xf32, #tpu.memory_space<vmem_shared>>
      tpu.enqueue_indirect_dma source(%arg17 : memref<96x128xf32, #tpu.memory_space<vmem>>) target(%dma_start3A_173 : memref<10112x128xf32, #tpu.memory_space<vmem_shared>>) offsets(%arg13 : memref<96xi32, #tpu.memory_space<vmem>>) semaphore(%arg26 : memref<!tpu.dma_semaphore, #tpu.memory_space<semaphore_mem>>) {add = true}
      %ge3A_174 = arith.constant 2 : i32
      %ge3A_175 = arith.cmpi sge, %add3A_160, %ge3A_174 : i32
      %convert_element_type3A_176 = arith.extui %ge3A_175 : i1 to i32
      %cond3A_177 = arith.constant 0 : i32
      %cond3A_178 = arith.cmpi ne, %convert_element_type3A_176, %cond3A_177 : i32
      scf.if %cond3A_178 {
        %dma_wait3A_229 = arith.constant 0 : i32
        %dma_wait3A_230 = arith.constant 0 : i32
        %dma_wait3A_231 = tpu.memref_slice %arg19[%dma_wait3A_229, %dma_wait3A_230] : memref<10112x128xf32, #tpu.memory_space<vmem_shared>> -> memref<10112x128xf32, #tpu.memory_space<vmem_shared>>
        tpu.wait_indirect_dma semaphore(%arg24 : memref<!tpu.dma_semaphore, #tpu.memory_space<semaphore_mem>>) src(%arg15 : memref<96x128xf32, #tpu.memory_space<vmem>>) dst(%dma_wait3A_231 : memref<10112x128xf32, #tpu.memory_space<vmem_shared>>)
      } else {
      }
      %add3A_179 = arith.constant 2 : i32
      %add3A_180 = arith.addi %add3A_160, %add3A_179 : i32
      %lt3A_181 = arith.constant 105 : i32
      %lt3A_182 = arith.cmpi slt, %add3A_180, %lt3A_181 : i32
      %convert_element_type3A_183 = arith.extui %lt3A_182 : i1 to i32
      %cond3A_184 = arith.constant 0 : i32
      %cond3A_185 = arith.cmpi ne, %convert_element_type3A_183, %cond3A_184 : i32
      scf.if %cond3A_185 {
        %add3A_229 = arith.constant 2 : i32
        %add3A_230 = arith.addi %add3A_160, %add3A_229 : i32
        %mul3A_231 = arith.constant 10080 : i32
        %mul3A_232 = arith.muli %add3A, %mul3A_231 : i32
        %mul3A_233 = arith.constant 96 : i32
        %mul3A_234 = arith.muli %add3A_230, %mul3A_233 : i32
        %add3A_235 = arith.addi %mul3A_232, %mul3A_234 : i32
        %dma_start3A_236 = tpu.memref_slice %arg4[%add3A_235] : memref<322560xi32, #tpu.memory_space<hbm>> -> memref<96xi32, #tpu.memory_space<hbm>>
        %dma_start3A_237 = tpu.memref_slice %arg4[%add3A_235] : memref<322560xi32, #tpu.memory_space<hbm>> -> memref<96xi32, #tpu.memory_space<hbm>>
        tpu.enqueue_dma source(%dma_start3A_237 : memref<96xi32, #tpu.memory_space<hbm>>) target(%arg11 : memref<96xi32, #tpu.memory_space<vmem>>) target_semaphore(%arg32 : memref<!tpu.dma_semaphore, #tpu.memory_space<semaphore_mem>>)
        %add3A_238 = arith.constant 2 : i32
        %add3A_239 = arith.addi %add3A_160, %add3A_238 : i32
        %mul3A_240 = arith.constant 10080 : i32
        %mul3A_241 = arith.muli %add3A, %mul3A_240 : i32
        %mul3A_242 = arith.constant 96 : i32
        %mul3A_243 = arith.muli %add3A_239, %mul3A_242 : i32
        %add3A_244 = arith.addi %mul3A_241, %mul3A_243 : i32
        %dma_wait3A_245 = tpu.memref_slice %arg3[%add3A_244] : memref<322560xi32, #tpu.memory_space<hbm>> -> memref<96xi32, #tpu.memory_space<hbm>>
        %dma_wait3A_246 = tpu.memref_slice %arg3[%add3A_244] : memref<322560xi32, #tpu.memory_space<hbm>> -> memref<96xi32, #tpu.memory_space<hbm>>
        tpu.wait_dma2 semaphore(%arg28 : memref<!tpu.dma_semaphore, #tpu.memory_space<semaphore_mem>>) src(%dma_wait3A_246 : memref<96xi32, #tpu.memory_space<hbm>>) dst(%arg7 : memref<96xi32, #tpu.memory_space<vmem>>)
        %add3A_247 = arith.constant 2 : i32
        %add3A_248 = arith.addi %add3A_160, %add3A_247 : i32
        %dma_start3A_249 = arith.constant 0 : i32
        %dma_start3A_250 = arith.constant 0 : i32
        %dma_start3A_251 = tpu.memref_slice %arg2[%dma_start3A_249, %dma_start3A_250] : memref<10000x128xf32, #tpu.memory_space<hbm>> -> memref<10000x128xf32, #tpu.memory_space<hbm>>
        tpu.enqueue_indirect_dma source(%dma_start3A_251 : memref<10000x128xf32, #tpu.memory_space<hbm>>) target(%arg15 : memref<96x128xf32, #tpu.memory_space<vmem>>) offsets(%arg7 : memref<96xi32, #tpu.memory_space<vmem>>) semaphore(%arg20 : memref<!tpu.dma_semaphore, #tpu.memory_space<semaphore_mem>>)
      } else {
      }
      %add3A_186 = arith.constant 4 : i32
      %add3A_187 = arith.addi %add3A_160, %add3A_186 : i32
      %lt3A_188 = arith.constant 105 : i32
      %lt3A_189 = arith.cmpi slt, %add3A_187, %lt3A_188 : i32
      %convert_element_type3A_190 = arith.extui %lt3A_189 : i1 to i32
      %cond3A_191 = arith.constant 0 : i32
      %cond3A_192 = arith.cmpi ne, %convert_element_type3A_190, %cond3A_191 : i32
      scf.if %cond3A_192 {
        %add3A_229 = arith.constant 4 : i32
        %add3A_230 = arith.addi %add3A_160, %add3A_229 : i32
        %mul3A_231 = arith.constant 10080 : i32
        %mul3A_232 = arith.muli %add3A, %mul3A_231 : i32
        %mul3A_233 = arith.constant 96 : i32
        %mul3A_234 = arith.muli %add3A_230, %mul3A_233 : i32
        %add3A_235 = arith.addi %mul3A_232, %mul3A_234 : i32
        %dma_start3A_236 = tpu.memref_slice %arg3[%add3A_235] : memref<322560xi32, #tpu.memory_space<hbm>> -> memref<96xi32, #tpu.memory_space<hbm>>
        %dma_start3A_237 = tpu.memref_slice %arg3[%add3A_235] : memref<322560xi32, #tpu.memory_space<hbm>> -> memref<96xi32, #tpu.memory_space<hbm>>
        tpu.enqueue_dma source(%dma_start3A_237 : memref<96xi32, #tpu.memory_space<hbm>>) target(%arg9 : memref<96xi32, #tpu.memory_space<vmem>>) target_semaphore(%arg30 : memref<!tpu.dma_semaphore, #tpu.memory_space<semaphore_mem>>)
      } else {
      }
      %mul3A_193 = arith.constant 4 : i32
      %mul3A_194 = arith.muli %scan3A_88, %mul3A_193 : i32
      %add3A_195 = arith.constant 3 : i32
      %add3A_196 = arith.addi %mul3A_194, %add3A_195 : i32
      %dma_wait3A_197 = arith.constant 0 : i32
      %dma_wait3A_198 = arith.constant 0 : i32
      %dma_wait3A_199 = tpu.memref_slice %arg2[%dma_wait3A_197, %dma_wait3A_198] : memref<10000x128xf32, #tpu.memory_space<hbm>> -> memref<10000x128xf32, #tpu.memory_space<hbm>>
      tpu.wait_indirect_dma semaphore(%arg23 : memref<!tpu.dma_semaphore, #tpu.memory_space<semaphore_mem>>) src(%dma_wait3A_199 : memref<10000x128xf32, #tpu.memory_space<hbm>>) dst(%arg18 : memref<96x128xf32, #tpu.memory_space<vmem>>)
      %mul3A_200 = arith.constant 10080 : i32
      %mul3A_201 = arith.muli %add3A, %mul3A_200 : i32
      %mul3A_202 = arith.constant 96 : i32
      %mul3A_203 = arith.muli %add3A_196, %mul3A_202 : i32
      %add3A_204 = arith.addi %mul3A_201, %mul3A_203 : i32
      %dma_wait3A_205 = tpu.memref_slice %arg4[%add3A_204] : memref<322560xi32, #tpu.memory_space<hbm>> -> memref<96xi32, #tpu.memory_space<hbm>>
      %dma_wait3A_206 = tpu.memref_slice %arg4[%add3A_204] : memref<322560xi32, #tpu.memory_space<hbm>> -> memref<96xi32, #tpu.memory_space<hbm>>
      tpu.wait_dma2 semaphore(%arg35 : memref<!tpu.dma_semaphore, #tpu.memory_space<semaphore_mem>>) src(%dma_wait3A_206 : memref<96xi32, #tpu.memory_space<hbm>>) dst(%arg14 : memref<96xi32, #tpu.memory_space<vmem>>)
      %dma_start3A_207 = arith.constant 0 : i32
      %dma_start3A_208 = arith.constant 0 : i32
      %dma_start3A_209 = tpu.memref_slice %arg19[%dma_start3A_207, %dma_start3A_208] : memref<10112x128xf32, #tpu.memory_space<vmem_shared>> -> memref<10112x128xf32, #tpu.memory_space<vmem_shared>>
      tpu.enqueue_indirect_dma source(%arg18 : memref<96x128xf32, #tpu.memory_space<vmem>>) target(%dma_start3A_209 : memref<10112x128xf32, #tpu.memory_space<vmem_shared>>) offsets(%arg14 : memref<96xi32, #tpu.memory_space<vmem>>) semaphore(%arg27 : memref<!tpu.dma_semaphore, #tpu.memory_space<semaphore_mem>>) {add = true}
      %ge3A_210 = arith.constant 2 : i32
      %ge3A_211 = arith.cmpi sge, %add3A_196, %ge3A_210 : i32
      %convert_element_type3A_212 = arith.extui %ge3A_211 : i1 to i32
      %cond3A_213 = arith.constant 0 : i32
      %cond3A_214 = arith.cmpi ne, %convert_element_type3A_212, %cond3A_213 : i32
      scf.if %cond3A_214 {
        %dma_wait3A_229 = arith.constant 0 : i32
        %dma_wait3A_230 = arith.constant 0 : i32
        %dma_wait3A_231 = tpu.memref_slice %arg19[%dma_wait3A_229, %dma_wait3A_230] : memref<10112x128xf32, #tpu.memory_space<vmem_shared>> -> memref<10112x128xf32, #tpu.memory_space<vmem_shared>>
        tpu.wait_indirect_dma semaphore(%arg25 : memref<!tpu.dma_semaphore, #tpu.memory_space<semaphore_mem>>) src(%arg16 : memref<96x128xf32, #tpu.memory_space<vmem>>) dst(%dma_wait3A_231 : memref<10112x128xf32, #tpu.memory_space<vmem_shared>>)
      } else {
      }
      %add3A_215 = arith.constant 2 : i32
      %add3A_216 = arith.addi %add3A_196, %add3A_215 : i32
      %lt3A_217 = arith.constant 105 : i32
      %lt3A_218 = arith.cmpi slt, %add3A_216, %lt3A_217 : i32
      %convert_element_type3A_219 = arith.extui %lt3A_218 : i1 to i32
      %cond3A_220 = arith.constant 0 : i32
      %cond3A_221 = arith.cmpi ne, %convert_element_type3A_219, %cond3A_220 : i32
      scf.if %cond3A_221 {
        %add3A_229 = arith.constant 2 : i32
        %add3A_230 = arith.addi %add3A_196, %add3A_229 : i32
        %mul3A_231 = arith.constant 10080 : i32
        %mul3A_232 = arith.muli %add3A, %mul3A_231 : i32
        %mul3A_233 = arith.constant 96 : i32
        %mul3A_234 = arith.muli %add3A_230, %mul3A_233 : i32
        %add3A_235 = arith.addi %mul3A_232, %mul3A_234 : i32
        %dma_start3A_236 = tpu.memref_slice %arg4[%add3A_235] : memref<322560xi32, #tpu.memory_space<hbm>> -> memref<96xi32, #tpu.memory_space<hbm>>
        %dma_start3A_237 = tpu.memref_slice %arg4[%add3A_235] : memref<322560xi32, #tpu.memory_space<hbm>> -> memref<96xi32, #tpu.memory_space<hbm>>
        tpu.enqueue_dma source(%dma_start3A_237 : memref<96xi32, #tpu.memory_space<hbm>>) target(%arg12 : memref<96xi32, #tpu.memory_space<vmem>>) target_semaphore(%arg33 : memref<!tpu.dma_semaphore, #tpu.memory_space<semaphore_mem>>)
        %add3A_238 = arith.constant 2 : i32
        %add3A_239 = arith.addi %add3A_196, %add3A_238 : i32
        %mul3A_240 = arith.constant 10080 : i32
        %mul3A_241 = arith.muli %add3A, %mul3A_240 : i32
        %mul3A_242 = arith.constant 96 : i32
        %mul3A_243 = arith.muli %add3A_239, %mul3A_242 : i32
        %add3A_244 = arith.addi %mul3A_241, %mul3A_243 : i32
        %dma_wait3A_245 = tpu.memref_slice %arg3[%add3A_244] : memref<322560xi32, #tpu.memory_space<hbm>> -> memref<96xi32, #tpu.memory_space<hbm>>
        %dma_wait3A_246 = tpu.memref_slice %arg3[%add3A_244] : memref<322560xi32, #tpu.memory_space<hbm>> -> memref<96xi32, #tpu.memory_space<hbm>>
        tpu.wait_dma2 semaphore(%arg29 : memref<!tpu.dma_semaphore, #tpu.memory_space<semaphore_mem>>) src(%dma_wait3A_246 : memref<96xi32, #tpu.memory_space<hbm>>) dst(%arg8 : memref<96xi32, #tpu.memory_space<vmem>>)
        %add3A_247 = arith.constant 2 : i32
        %add3A_248 = arith.addi %add3A_196, %add3A_247 : i32
        %dma_start3A_249 = arith.constant 0 : i32
        %dma_start3A_250 = arith.constant 0 : i32
        %dma_start3A_251 = tpu.memref_slice %arg2[%dma_start3A_249, %dma_start3A_250] : memref<10000x128xf32, #tpu.memory_space<hbm>> -> memref<10000x128xf32, #tpu.memory_space<hbm>>
        tpu.enqueue_indirect_dma source(%dma_start3A_251 : memref<10000x128xf32, #tpu.memory_space<hbm>>) target(%arg16 : memref<96x128xf32, #tpu.memory_space<vmem>>) offsets(%arg8 : memref<96xi32, #tpu.memory_space<vmem>>) semaphore(%arg21 : memref<!tpu.dma_semaphore, #tpu.memory_space<semaphore_mem>>)
      } else {
      }
      %add3A_222 = arith.constant 4 : i32
      %add3A_223 = arith.addi %add3A_196, %add3A_222 : i32
      %lt3A_224 = arith.constant 105 : i32
      %lt3A_225 = arith.cmpi slt, %add3A_223, %lt3A_224 : i32
      %convert_element_type3A_226 = arith.extui %lt3A_225 : i1 to i32
      %cond3A_227 = arith.constant 0 : i32
      %cond3A_228 = arith.cmpi ne, %convert_element_type3A_226, %cond3A_227 : i32
      scf.if %cond3A_228 {
        %add3A_229 = arith.constant 4 : i32
        %add3A_230 = arith.addi %add3A_196, %add3A_229 : i32
        %mul3A_231 = arith.constant 10080 : i32
        %mul3A_232 = arith.muli %add3A, %mul3A_231 : i32
        %mul3A_233 = arith.constant 96 : i32
        %mul3A_234 = arith.muli %add3A_230, %mul3A_233 : i32
        %add3A_235 = arith.addi %mul3A_232, %mul3A_234 : i32
        %dma_start3A_236 = tpu.memref_slice %arg3[%add3A_235] : memref<322560xi32, #tpu.memory_space<hbm>> -> memref<96xi32, #tpu.memory_space<hbm>>
        %dma_start3A_237 = tpu.memref_slice %arg3[%add3A_235] : memref<322560xi32, #tpu.memory_space<hbm>> -> memref<96xi32, #tpu.memory_space<hbm>>
        tpu.enqueue_dma source(%dma_start3A_237 : memref<96xi32, #tpu.memory_space<hbm>>) target(%arg10 : memref<96xi32, #tpu.memory_space<vmem>>) target_semaphore(%arg31 : memref<!tpu.dma_semaphore, #tpu.memory_space<semaphore_mem>>)
      } else {
      }
    }
    %scan3A_61 = arith.constant 26 : i32
    %dma_wait3A_62 = arith.constant 0 : i32
    %dma_wait3A_63 = arith.constant 0 : i32
    %dma_wait3A_64 = tpu.memref_slice %arg2[%dma_wait3A_62, %dma_wait3A_63] : memref<10000x128xf32, #tpu.memory_space<hbm>> -> memref<10000x128xf32, #tpu.memory_space<hbm>>
    tpu.wait_indirect_dma semaphore(%arg20 : memref<!tpu.dma_semaphore, #tpu.memory_space<semaphore_mem>>) src(%dma_wait3A_64 : memref<10000x128xf32, #tpu.memory_space<hbm>>) dst(%arg15 : memref<96x128xf32, #tpu.memory_space<vmem>>)
    %mul3A_65 = arith.constant 10080 : i32
    %mul3A_66 = arith.muli %add3A, %mul3A_65 : i32
    %add3A_67 = arith.constant 9984 : i32
    %add3A_68 = arith.addi %mul3A_66, %add3A_67 : i32
    %dma_wait3A_69 = tpu.memref_slice %arg4[%add3A_68] : memref<322560xi32, #tpu.memory_space<hbm>> -> memref<96xi32, #tpu.memory_space<hbm>>
    %dma_wait3A_70 = tpu.memref_slice %arg4[%add3A_68] : memref<322560xi32, #tpu.memory_space<hbm>> -> memref<96xi32, #tpu.memory_space<hbm>>
    tpu.wait_dma2 semaphore(%arg32 : memref<!tpu.dma_semaphore, #tpu.memory_space<semaphore_mem>>) src(%dma_wait3A_70 : memref<96xi32, #tpu.memory_space<hbm>>) dst(%arg11 : memref<96xi32, #tpu.memory_space<vmem>>)
    %dma_start3A_71 = arith.constant 0 : i32
    %dma_start3A_72 = arith.constant 0 : i32
    %dma_start3A_73 = tpu.memref_slice %arg19[%dma_start3A_71, %dma_start3A_72] : memref<10112x128xf32, #tpu.memory_space<vmem_shared>> -> memref<10112x128xf32, #tpu.memory_space<vmem_shared>>
    tpu.enqueue_indirect_dma source(%arg15 : memref<96x128xf32, #tpu.memory_space<vmem>>) target(%dma_start3A_73 : memref<10112x128xf32, #tpu.memory_space<vmem_shared>>) offsets(%arg11 : memref<96xi32, #tpu.memory_space<vmem>>) semaphore(%arg24 : memref<!tpu.dma_semaphore, #tpu.memory_space<semaphore_mem>>) {add = true}
    %dma_wait3A_74 = arith.constant 0 : i32
    %dma_wait3A_75 = arith.constant 0 : i32
    %dma_wait3A_76 = tpu.memref_slice %arg19[%dma_wait3A_74, %dma_wait3A_75] : memref<10112x128xf32, #tpu.memory_space<vmem_shared>> -> memref<10112x128xf32, #tpu.memory_space<vmem_shared>>
    tpu.wait_indirect_dma semaphore(%arg26 : memref<!tpu.dma_semaphore, #tpu.memory_space<semaphore_mem>>) src(%arg17 : memref<96x128xf32, #tpu.memory_space<vmem>>) dst(%dma_wait3A_76 : memref<10112x128xf32, #tpu.memory_space<vmem_shared>>)
    %dma_wait3A_77 = arith.constant 0 : i32
    %dma_wait3A_78 = arith.constant 0 : i32
    %dma_wait3A_79 = tpu.memref_slice %arg19[%dma_wait3A_77, %dma_wait3A_78] : memref<10112x128xf32, #tpu.memory_space<vmem_shared>> -> memref<10112x128xf32, #tpu.memory_space<vmem_shared>>
    tpu.wait_indirect_dma semaphore(%arg27 : memref<!tpu.dma_semaphore, #tpu.memory_space<semaphore_mem>>) src(%arg18 : memref<96x128xf32, #tpu.memory_space<vmem>>) dst(%dma_wait3A_79 : memref<10112x128xf32, #tpu.memory_space<vmem_shared>>)
    %dma_wait3A_80 = arith.constant 0 : i32
    %dma_wait3A_81 = arith.constant 0 : i32
    %dma_wait3A_82 = tpu.memref_slice %arg19[%dma_wait3A_80, %dma_wait3A_81] : memref<10112x128xf32, #tpu.memory_space<vmem_shared>> -> memref<10112x128xf32, #tpu.memory_space<vmem_shared>>
    tpu.wait_indirect_dma semaphore(%arg24 : memref<!tpu.dma_semaphore, #tpu.memory_space<semaphore_mem>>) src(%arg15 : memref<96x128xf32, #tpu.memory_space<vmem>>) dst(%dma_wait3A_82 : memref<10112x128xf32, #tpu.memory_space<vmem_shared>>)
    %barrier3A_83 = arith.constant 0 : index
    tpu.barrier barrier_id(%barrier3A_83)
    %mul3A_84 = arith.constant 632 : i32
    %mul3A_85 = arith.muli %arg1, %mul3A_84 : i32
    %mul3A_86 = arith.constant 632 : i32
    %mul3A_87 = arith.muli %arg1, %mul3A_86 : i32
    "tpu.region"() ({
      %run_scoped3A = tpu.sem_alloc : memref<!tpu.dma_semaphore, #tpu.memory_space<semaphore_mem>>
      %dma_start3A_88 = arith.constant 0 : i32
      %dma_start3A_89 = tpu.memref_slice %arg6[%arg0, %mul3A_87, %dma_start3A_88] : memref<2x10112x128xf32, #tpu.memory_space<hbm>> -> memref<1x632x128xf32, #tpu.memory_space<hbm>>
      %dma_start3A_90 = tpu.memref_squeeze %dma_start3A_89 : memref<1x632x128xf32, #tpu.memory_space<hbm>> -> memref<632x128xf32, #tpu.memory_space<hbm>>
      %dma_start3A_91 = arith.constant 0 : i32
      %dma_start3A_92 = tpu.memref_slice %arg19[%mul3A_85, %dma_start3A_91] : memref<10112x128xf32, #tpu.memory_space<vmem_shared>> -> memref<632x128xf32, #tpu.memory_space<vmem_shared>>
      tpu.enqueue_dma source(%dma_start3A_92 : memref<632x128xf32, #tpu.memory_space<vmem_shared>>) target(%dma_start3A_90 : memref<632x128xf32, #tpu.memory_space<hbm>>) target_semaphore(%run_scoped3A : memref<!tpu.dma_semaphore, #tpu.memory_space<semaphore_mem>>)
      %dma_wait3A_93 = arith.constant 0 : i32
      %dma_wait3A_94 = tpu.memref_slice %arg6[%arg0, %mul3A_87, %dma_wait3A_93] : memref<2x10112x128xf32, #tpu.memory_space<hbm>> -> memref<1x632x128xf32, #tpu.memory_space<hbm>>
      %dma_wait3A_95 = tpu.memref_squeeze %dma_wait3A_94 : memref<1x632x128xf32, #tpu.memory_space<hbm>> -> memref<632x128xf32, #tpu.memory_space<hbm>>
      %dma_wait3A_96 = arith.constant 0 : i32
      %dma_wait3A_97 = tpu.memref_slice %arg19[%mul3A_85, %dma_wait3A_96] : memref<10112x128xf32, #tpu.memory_space<vmem_shared>> -> memref<632x128xf32, #tpu.memory_space<vmem_shared>>
      tpu.wait_dma2 semaphore(%run_scoped3A : memref<!tpu.dma_semaphore, #tpu.memory_space<semaphore_mem>>) src(%dma_wait3A_97 : memref<632x128xf32, #tpu.memory_space<vmem_shared>>) dst(%dma_wait3A_95 : memref<632x128xf32, #tpu.memory_space<hbm>>)
      tpu.yield
    }) : () -> ()
    return
  }
}

#map = affine_map<(d0, d1) -> (0, 0)>
#map1 = affine_map<(d0, d1) -> (0)>
#map2 = affine_map<(d0, d1) -> (0, 0, 0)>
module attributes {stable_mosaic.version = 14 : i64} {
  func.func @body(%arg0: i32, %arg1: i32, %arg2: memref<10000x128xf32, #tpu.memory_space<hbm>>, %arg3: memref<322560xi32, #tpu.memory_space<hbm>>, %arg4: memref<322560xi32, #tpu.memory_space<hbm>>, %arg5: memref<10112x128xf32, #tpu.memory_space<hbm>>, %arg6: memref<2x10112x128xf32, #tpu.memory_space<hbm>>, %arg7: memref<96xi32, #tpu.memory_space<vmem>>, %arg8: memref<96xi32, #tpu.memory_space<vmem>>, %arg9: memref<96xi32, #tpu.memory_space<vmem>>, %arg10: memref<96xi32, #tpu.memory_space<vmem>>, %arg11: memref<96xi32, #tpu.memory_space<vmem>>, %arg12: memref<96xi32, #tpu.memory_space<vmem>>, %arg13: memref<96xi32, #tpu.memory_space<vmem>>, %arg14: memref<96xi32, #tpu.memory_space<vmem>>, %arg15: memref<96x128xf32, #tpu.memory_space<vmem>>, %arg16: memref<96x128xf32, #tpu.memory_space<vmem>>, %arg17: memref<96x128xf32, #tpu.memory_space<vmem>>, %arg18: memref<96x128xf32, #tpu.memory_space<vmem>>, %arg19: memref<10112x128xf32, #tpu.memory_space<vmem_shared>>, %arg20: memref<!tpu.dma_semaphore, #tpu.memory_space<semaphore_mem>>, %arg21: memref<!tpu.dma_semaphore, #tpu.memory_space<semaphore_mem>>, %arg22: memref<!tpu.dma_semaphore, #tpu.memory_space<semaphore_mem>>, %arg23: memref<!tpu.dma_semaphore, #tpu.memory_space<semaphore_mem>>, %arg24: memref<!tpu.dma_semaphore, #tpu.memory_space<semaphore_mem>>, %arg25: memref<!tpu.dma_semaphore, #tpu.memory_space<semaphore_mem>>, %arg26: memref<!tpu.dma_semaphore, #tpu.memory_space<semaphore_mem>>, %arg27: memref<!tpu.dma_semaphore, #tpu.memory_space<semaphore_mem>>, %arg28: memref<!tpu.dma_semaphore, #tpu.memory_space<semaphore_mem>>, %arg29: memref<!tpu.dma_semaphore, #tpu.memory_space<semaphore_mem>>, %arg30: memref<!tpu.dma_semaphore, #tpu.memory_space<semaphore_mem>>, %arg31: memref<!tpu.dma_semaphore, #tpu.memory_space<semaphore_mem>>, %arg32: memref<!tpu.dma_semaphore, #tpu.memory_space<semaphore_mem>>, %arg33: memref<!tpu.dma_semaphore, #tpu.memory_space<semaphore_mem>>, %arg34: memref<!tpu.dma_semaphore, #tpu.memory_space<semaphore_mem>>, %arg35: memref<!tpu.dma_semaphore, #tpu.memory_space<semaphore_mem>>) attributes {dimension_semantics = [#tpu.dimension_semantics<core_parallel>, #tpu.dimension_semantics<subcore_parallel>], iteration_bounds = array<i64: 2, 16>, scalar_prefetch = 0 : i64, scratch_operands = 29 : i64, tpu.core_type = #tpu.core_type<sc_vector_subcore>, window_params = [{transform_indices = #map}, {transform_indices = #map1}, {transform_indices = #map1}, {transform_indices = #map}, {transform_indices = #map2}]} {
    %mul3A = arith.constant 16 : i32
    %mul3A_0 = arith.muli %arg0, %mul3A : i32
    %add3A = arith.addi %mul3A_0, %arg1 : i32
    %mul3A_1 = arith.constant 10080 : i32
    %mul3A_2 = arith.muli %add3A, %mul3A_1 : i32
    %add3A_3 = arith.constant 0 : i32
    %add3A_4 = arith.addi %mul3A_2, %add3A_3 : i32
    %dma_start3A = tpu.memref_slice %arg3[%add3A_4] : memref<322560xi32, #tpu.memory_space<hbm>> -> memref<96xi32, #tpu.memory_space<hbm>>
    %dma_start3A_5 = tpu.memref_slice %arg3[%add3A_4] : memref<322560xi32, #tpu.memory_space<hbm>> -> memref<96xi32, #tpu.memory_space<hbm>>
    tpu.enqueue_dma source(%dma_start3A_5 : memref<96xi32, #tpu.memory_space<hbm>>) target(%arg7 : memref<96xi32, #tpu.memory_space<vmem>>) target_semaphore(%arg28 : memref<!tpu.dma_semaphore, #tpu.memory_space<semaphore_mem>>)
    %mul3A_6 = arith.constant 10080 : i32
    %mul3A_7 = arith.muli %add3A, %mul3A_6 : i32
    %add3A_8 = arith.constant 96 : i32
    %add3A_9 = arith.addi %mul3A_7, %add3A_8 : i32
    %dma_start3A_10 = tpu.memref_slice %arg3[%add3A_9] : memref<322560xi32, #tpu.memory_space<hbm>> -> memref<96xi32, #tpu.memory_space<hbm>>
    %dma_start3A_11 = tpu.memref_slice %arg3[%add3A_9] : memref<322560xi32, #tpu.memory_space<hbm>> -> memref<96xi32, #tpu.memory_space<hbm>>
    tpu.enqueue_dma source(%dma_start3A_11 : memref<96xi32, #tpu.memory_space<hbm>>) target(%arg8 : memref<96xi32, #tpu.memory_space<vmem>>) target_semaphore(%arg29 : memref<!tpu.dma_semaphore, #tpu.memory_space<semaphore_mem>>)
    %mul3A_12 = arith.constant 10080 : i32
    %mul3A_13 = arith.muli %add3A, %mul3A_12 : i32
    %add3A_14 = arith.constant 192 : i32
    %add3A_15 = arith.addi %mul3A_13, %add3A_14 : i32
    %dma_start3A_16 = tpu.memref_slice %arg3[%add3A_15] : memref<322560xi32, #tpu.memory_space<hbm>> -> memref<96xi32, #tpu.memory_space<hbm>>
    %dma_start3A_17 = tpu.memref_slice %arg3[%add3A_15] : memref<322560xi32, #tpu.memory_space<hbm>> -> memref<96xi32, #tpu.memory_space<hbm>>
    tpu.enqueue_dma source(%dma_start3A_17 : memref<96xi32, #tpu.memory_space<hbm>>) target(%arg9 : memref<96xi32, #tpu.memory_space<vmem>>) target_semaphore(%arg30 : memref<!tpu.dma_semaphore, #tpu.memory_space<semaphore_mem>>)
    %mul3A_18 = arith.constant 10080 : i32
    %mul3A_19 = arith.muli %add3A, %mul3A_18 : i32
    %add3A_20 = arith.constant 288 : i32
    %add3A_21 = arith.addi %mul3A_19, %add3A_20 : i32
    %dma_start3A_22 = tpu.memref_slice %arg3[%add3A_21] : memref<322560xi32, #tpu.memory_space<hbm>> -> memref<96xi32, #tpu.memory_space<hbm>>
    %dma_start3A_23 = tpu.memref_slice %arg3[%add3A_21] : memref<322560xi32, #tpu.memory_space<hbm>> -> memref<96xi32, #tpu.memory_space<hbm>>
    tpu.enqueue_dma source(%dma_start3A_23 : memref<96xi32, #tpu.memory_space<hbm>>) target(%arg10 : memref<96xi32, #tpu.memory_space<vmem>>) target_semaphore(%arg31 : memref<!tpu.dma_semaphore, #tpu.memory_space<semaphore_mem>>)
    %mul3A_24 = arith.constant 10080 : i32
    %mul3A_25 = arith.muli %add3A, %mul3A_24 : i32
    %add3A_26 = arith.constant 0 : i32
    %add3A_27 = arith.addi %mul3A_25, %add3A_26 : i32
    %dma_start3A_28 = tpu.memref_slice %arg4[%add3A_27] : memref<322560xi32, #tpu.memory_space<hbm>> -> memref<96xi32, #tpu.memory_space<hbm>>
    %dma_start3A_29 = tpu.memref_slice %arg4[%add3A_27] : memref<322560xi32, #tpu.memory_space<hbm>> -> memref<96xi32, #tpu.memory_space<hbm>>
    tpu.enqueue_dma source(%dma_start3A_29 : memref<96xi32, #tpu.memory_space<hbm>>) target(%arg11 : memref<96xi32, #tpu.memory_space<vmem>>) target_semaphore(%arg32 : memref<!tpu.dma_semaphore, #tpu.memory_space<semaphore_mem>>)
    %mul3A_30 = arith.constant 10080 : i32
    %mul3A_31 = arith.muli %add3A, %mul3A_30 : i32
    %add3A_32 = arith.constant 96 : i32
    %add3A_33 = arith.addi %mul3A_31, %add3A_32 : i32
    %dma_start3A_34 = tpu.memref_slice %arg4[%add3A_33] : memref<322560xi32, #tpu.memory_space<hbm>> -> memref<96xi32, #tpu.memory_space<hbm>>
    %dma_start3A_35 = tpu.memref_slice %arg4[%add3A_33] : memref<322560xi32, #tpu.memory_space<hbm>> -> memref<96xi32, #tpu.memory_space<hbm>>
    tpu.enqueue_dma source(%dma_start3A_35 : memref<96xi32, #tpu.memory_space<hbm>>) target(%arg12 : memref<96xi32, #tpu.memory_space<vmem>>) target_semaphore(%arg33 : memref<!tpu.dma_semaphore, #tpu.memory_space<semaphore_mem>>)
    %mul3A_36 = arith.constant 10080 : i32
    %mul3A_37 = arith.muli %add3A, %mul3A_36 : i32
    %add3A_38 = arith.constant 0 : i32
    %add3A_39 = arith.addi %mul3A_37, %add3A_38 : i32
    %dma_wait3A = tpu.memref_slice %arg3[%add3A_39] : memref<322560xi32, #tpu.memory_space<hbm>> -> memref<96xi32, #tpu.memory_space<hbm>>
    %dma_wait3A_40 = tpu.memref_slice %arg3[%add3A_39] : memref<322560xi32, #tpu.memory_space<hbm>> -> memref<96xi32, #tpu.memory_space<hbm>>
    tpu.wait_dma2 semaphore(%arg28 : memref<!tpu.dma_semaphore, #tpu.memory_space<semaphore_mem>>) src(%dma_wait3A_40 : memref<96xi32, #tpu.memory_space<hbm>>) dst(%arg7 : memref<96xi32, #tpu.memory_space<vmem>>)
    %dma_start3A_41 = arith.constant 0 : i32
    %dma_start3A_42 = arith.constant 0 : i32
    %dma_start3A_43 = tpu.memref_slice %arg2[%dma_start3A_41, %dma_start3A_42] : memref<10000x128xf32, #tpu.memory_space<hbm>> -> memref<10000x128xf32, #tpu.memory_space<hbm>>
    tpu.enqueue_indirect_dma source(%dma_start3A_43 : memref<10000x128xf32, #tpu.memory_space<hbm>>) target(%arg15 : memref<96x128xf32, #tpu.memory_space<vmem>>) offsets(%arg7 : memref<96xi32, #tpu.memory_space<vmem>>) semaphore(%arg20 : memref<!tpu.dma_semaphore, #tpu.memory_space<semaphore_mem>>)
    %mul3A_44 = arith.constant 10080 : i32
    %mul3A_45 = arith.muli %add3A, %mul3A_44 : i32
    %add3A_46 = arith.constant 96 : i32
    %add3A_47 = arith.addi %mul3A_45, %add3A_46 : i32
    %dma_wait3A_48 = tpu.memref_slice %arg3[%add3A_47] : memref<322560xi32, #tpu.memory_space<hbm>> -> memref<96xi32, #tpu.memory_space<hbm>>
    %dma_wait3A_49 = tpu.memref_slice %arg3[%add3A_47] : memref<322560xi32, #tpu.memory_space<hbm>> -> memref<96xi32, #tpu.memory_space<hbm>>
    tpu.wait_dma2 semaphore(%arg29 : memref<!tpu.dma_semaphore, #tpu.memory_space<semaphore_mem>>) src(%dma_wait3A_49 : memref<96xi32, #tpu.memory_space<hbm>>) dst(%arg8 : memref<96xi32, #tpu.memory_space<vmem>>)
    %dma_start3A_50 = arith.constant 0 : i32
    %dma_start3A_51 = arith.constant 0 : i32
    %dma_start3A_52 = tpu.memref_slice %arg2[%dma_start3A_50, %dma_start3A_51] : memref<10000x128xf32, #tpu.memory_space<hbm>> -> memref<10000x128xf32, #tpu.memory_space<hbm>>
    tpu.enqueue_indirect_dma source(%dma_start3A_52 : memref<10000x128xf32, #tpu.memory_space<hbm>>) target(%arg16 : memref<96x128xf32, #tpu.memory_space<vmem>>) offsets(%arg8 : memref<96xi32, #tpu.memory_space<vmem>>) semaphore(%arg21 : memref<!tpu.dma_semaphore, #tpu.memory_space<semaphore_mem>>)
    %mul3A_53 = arith.constant 632 : i32
    %mul3A_54 = arith.muli %arg1, %mul3A_53 : i32
    %mul3A_55 = arith.constant 632 : i32
    %mul3A_56 = arith.muli %arg1, %mul3A_55 : i32
    "tpu.region"() ({
      %run_scoped3A = tpu.sem_alloc : memref<!tpu.dma_semaphore, #tpu.memory_space<semaphore_mem>>
      %dma_start3A_88 = arith.constant 0 : i32
      %dma_start3A_89 = tpu.memref_slice %arg19[%mul3A_56, %dma_start3A_88] : memref<10112x128xf32, #tpu.memory_space<vmem_shared>> -> memref<632x128xf32, #tpu.memory_space<vmem_shared>>
      %dma_start3A_90 = arith.constant 0 : i32
      %dma_start3A_91 = tpu.memref_slice %arg5[%mul3A_54, %dma_start3A_90] : memref<10112x128xf32, #tpu.memory_space<hbm>> -> memref<632x128xf32, #tpu.memory_space<hbm>>
      tpu.enqueue_dma source(%dma_start3A_91 : memref<632x128xf32, #tpu.memory_space<hbm>>) target(%dma_start3A_89 : memref<632x128xf32, #tpu.memory_space<vmem_shared>>) target_semaphore(%run_scoped3A : memref<!tpu.dma_semaphore, #tpu.memory_space<semaphore_mem>>)
      %dma_wait3A_92 = arith.constant 0 : i32
      %dma_wait3A_93 = tpu.memref_slice %arg19[%mul3A_56, %dma_wait3A_92] : memref<10112x128xf32, #tpu.memory_space<vmem_shared>> -> memref<632x128xf32, #tpu.memory_space<vmem_shared>>
      %dma_wait3A_94 = arith.constant 0 : i32
      %dma_wait3A_95 = tpu.memref_slice %arg5[%mul3A_54, %dma_wait3A_94] : memref<10112x128xf32, #tpu.memory_space<hbm>> -> memref<632x128xf32, #tpu.memory_space<hbm>>
      tpu.wait_dma2 semaphore(%run_scoped3A : memref<!tpu.dma_semaphore, #tpu.memory_space<semaphore_mem>>) src(%dma_wait3A_95 : memref<632x128xf32, #tpu.memory_space<hbm>>) dst(%dma_wait3A_93 : memref<632x128xf32, #tpu.memory_space<vmem_shared>>)
      tpu.yield
    }) : () -> ()
    %barrier3A = arith.constant 0 : index
    tpu.barrier barrier_id(%barrier3A)
    %scan3A = arith.constant 0 : i32
    %scan3A_57 = arith.constant 0 : i32
    %scan3A_58 = arith.constant 26 : i32
    %scan3A_59 = arith.addi %scan3A_57, %scan3A_58 : i32
    %scan3A_60 = arith.constant 1 : i32
    scf.for %scan3A_88 = %scan3A_57 to %scan3A_59 step %scan3A_60  : i32 {
      %mul3A_89 = arith.constant 4 : i32
      %mul3A_90 = arith.muli %scan3A_88, %mul3A_89 : i32
      %add3A_91 = arith.constant 0 : i32
      %add3A_92 = arith.addi %mul3A_90, %add3A_91 : i32
      %dma_wait3A_93 = arith.constant 0 : i32
      %dma_wait3A_94 = arith.constant 0 : i32
      %dma_wait3A_95 = tpu.memref_slice %arg2[%dma_wait3A_93, %dma_wait3A_94] : memref<10000x128xf32, #tpu.memory_space<hbm>> -> memref<10000x128xf32, #tpu.memory_space<hbm>>
      tpu.wait_indirect_dma semaphore(%arg20 : memref<!tpu.dma_semaphore, #tpu.memory_space<semaphore_mem>>) src(%dma_wait3A_95 : memref<10000x128xf32, #tpu.memory_space<hbm>>) dst(%arg15 : memref<96x128xf32, #tpu.memory_space<vmem>>)
      %mul3A_96 = arith.constant 10080 : i32
      %mul3A_97 = arith.muli %add3A, %mul3A_96 : i32
      %mul3A_98 = arith.constant 96 : i32
      %mul3A_99 = arith.muli %add3A_92, %mul3A_98 : i32
      %add3A_100 = arith.addi %mul3A_97, %mul3A_99 : i32
      %dma_wait3A_101 = tpu.memref_slice %arg4[%add3A_100] : memref<322560xi32, #tpu.memory_space<hbm>> -> memref<96xi32, #tpu.memory_space<hbm>>
      %dma_wait3A_102 = tpu.memref_slice %arg4[%add3A_100] : memref<322560xi32, #tpu.memory_space<hbm>> -> memref<96xi32, #tpu.memory_space<hbm>>
      tpu.wait_dma2 semaphore(%arg32 : memref<!tpu.dma_semaphore, #tpu.memory_space<semaphore_mem>>) src(%dma_wait3A_102 : memref<96xi32, #tpu.memory_space<hbm>>) dst(%arg11 : memref<96xi32, #tpu.memory_space<vmem>>)
      %dma_start3A_103 = arith.constant 0 : i32
      %dma_start3A_104 = arith.constant 0 : i32
      %dma_start3A_105 = tpu.memref_slice %arg19[%dma_start3A_103, %dma_start3A_104] : memref<10112x128xf32, #tpu.memory_space<vmem_shared>> -> memref<10112x128xf32, #tpu.memory_space<vmem_shared>>
      tpu.enqueue_indirect_dma source(%arg15 : memref<96x128xf32, #tpu.memory_space<vmem>>) target(%dma_start3A_105 : memref<10112x128xf32, #tpu.memory_space<vmem_shared>>) offsets(%arg11 : memref<96xi32, #tpu.memory_space<vmem>>) semaphore(%arg24 : memref<!tpu.dma_semaphore, #tpu.memory_space<semaphore_mem>>) {add = true}
      %ge3A = arith.constant 2 : i32
      %ge3A_106 = arith.cmpi sge, %add3A_92, %ge3A : i32
      %convert_element_type3A = arith.extui %ge3A_106 : i1 to i32
      %cond3A = arith.constant 0 : i32
      %cond3A_107 = arith.cmpi ne, %convert_element_type3A, %cond3A : i32
      scf.if %cond3A_107 {
        %dma_wait3A_229 = arith.constant 0 : i32
        %dma_wait3A_230 = arith.constant 0 : i32
        %dma_wait3A_231 = tpu.memref_slice %arg19[%dma_wait3A_229, %dma_wait3A_230] : memref<10112x128xf32, #tpu.memory_space<vmem_shared>> -> memref<10112x128xf32, #tpu.memory_space<vmem_shared>>
        tpu.wait_indirect_dma semaphore(%arg26 : memref<!tpu.dma_semaphore, #tpu.memory_space<semaphore_mem>>) src(%arg17 : memref<96x128xf32, #tpu.memory_space<vmem>>) dst(%dma_wait3A_231 : memref<10112x128xf32, #tpu.memory_space<vmem_shared>>)
      } else {
      }
      %add3A_108 = arith.constant 2 : i32
      %add3A_109 = arith.addi %add3A_92, %add3A_108 : i32
      %lt3A = arith.constant 105 : i32
      %lt3A_110 = arith.cmpi slt, %add3A_109, %lt3A : i32
      %convert_element_type3A_111 = arith.extui %lt3A_110 : i1 to i32
      %cond3A_112 = arith.constant 0 : i32
      %cond3A_113 = arith.cmpi ne, %convert_element_type3A_111, %cond3A_112 : i32
      scf.if %cond3A_113 {
        %add3A_229 = arith.constant 2 : i32
        %add3A_230 = arith.addi %add3A_92, %add3A_229 : i32
        %mul3A_231 = arith.constant 10080 : i32
        %mul3A_232 = arith.muli %add3A, %mul3A_231 : i32
        %mul3A_233 = arith.constant 96 : i32
        %mul3A_234 = arith.muli %add3A_230, %mul3A_233 : i32
        %add3A_235 = arith.addi %mul3A_232, %mul3A_234 : i32
        %dma_start3A_236 = tpu.memref_slice %arg4[%add3A_235] : memref<322560xi32, #tpu.memory_space<hbm>> -> memref<96xi32, #tpu.memory_space<hbm>>
        %dma_start3A_237 = tpu.memref_slice %arg4[%add3A_235] : memref<322560xi32, #tpu.memory_space<hbm>> -> memref<96xi32, #tpu.memory_space<hbm>>
        tpu.enqueue_dma source(%dma_start3A_237 : memref<96xi32, #tpu.memory_space<hbm>>) target(%arg13 : memref<96xi32, #tpu.memory_space<vmem>>) target_semaphore(%arg34 : memref<!tpu.dma_semaphore, #tpu.memory_space<semaphore_mem>>)
        %add3A_238 = arith.constant 2 : i32
        %add3A_239 = arith.addi %add3A_92, %add3A_238 : i32
        %mul3A_240 = arith.constant 10080 : i32
        %mul3A_241 = arith.muli %add3A, %mul3A_240 : i32
        %mul3A_242 = arith.constant 96 : i32
        %mul3A_243 = arith.muli %add3A_239, %mul3A_242 : i32
        %add3A_244 = arith.addi %mul3A_241, %mul3A_243 : i32
        %dma_wait3A_245 = tpu.memref_slice %arg3[%add3A_244] : memref<322560xi32, #tpu.memory_space<hbm>> -> memref<96xi32, #tpu.memory_space<hbm>>
        %dma_wait3A_246 = tpu.memref_slice %arg3[%add3A_244] : memref<322560xi32, #tpu.memory_space<hbm>> -> memref<96xi32, #tpu.memory_space<hbm>>
        tpu.wait_dma2 semaphore(%arg30 : memref<!tpu.dma_semaphore, #tpu.memory_space<semaphore_mem>>) src(%dma_wait3A_246 : memref<96xi32, #tpu.memory_space<hbm>>) dst(%arg9 : memref<96xi32, #tpu.memory_space<vmem>>)
        %add3A_247 = arith.constant 2 : i32
        %add3A_248 = arith.addi %add3A_92, %add3A_247 : i32
        %dma_start3A_249 = arith.constant 0 : i32
        %dma_start3A_250 = arith.constant 0 : i32
        %dma_start3A_251 = tpu.memref_slice %arg2[%dma_start3A_249, %dma_start3A_250] : memref<10000x128xf32, #tpu.memory_space<hbm>> -> memref<10000x128xf32, #tpu.memory_space<hbm>>
        tpu.enqueue_indirect_dma source(%dma_start3A_251 : memref<10000x128xf32, #tpu.memory_space<hbm>>) target(%arg17 : memref<96x128xf32, #tpu.memory_space<vmem>>) offsets(%arg9 : memref<96xi32, #tpu.memory_space<vmem>>) semaphore(%arg22 : memref<!tpu.dma_semaphore, #tpu.memory_space<semaphore_mem>>)
      } else {
      }
      %add3A_114 = arith.constant 4 : i32
      %add3A_115 = arith.addi %add3A_92, %add3A_114 : i32
      %lt3A_116 = arith.constant 105 : i32
      %lt3A_117 = arith.cmpi slt, %add3A_115, %lt3A_116 : i32
      %convert_element_type3A_118 = arith.extui %lt3A_117 : i1 to i32
      %cond3A_119 = arith.constant 0 : i32
      %cond3A_120 = arith.cmpi ne, %convert_element_type3A_118, %cond3A_119 : i32
      scf.if %cond3A_120 {
        %add3A_229 = arith.constant 4 : i32
        %add3A_230 = arith.addi %add3A_92, %add3A_229 : i32
        %mul3A_231 = arith.constant 10080 : i32
        %mul3A_232 = arith.muli %add3A, %mul3A_231 : i32
        %mul3A_233 = arith.constant 96 : i32
        %mul3A_234 = arith.muli %add3A_230, %mul3A_233 : i32
        %add3A_235 = arith.addi %mul3A_232, %mul3A_234 : i32
        %dma_start3A_236 = tpu.memref_slice %arg3[%add3A_235] : memref<322560xi32, #tpu.memory_space<hbm>> -> memref<96xi32, #tpu.memory_space<hbm>>
        %dma_start3A_237 = tpu.memref_slice %arg3[%add3A_235] : memref<322560xi32, #tpu.memory_space<hbm>> -> memref<96xi32, #tpu.memory_space<hbm>>
        tpu.enqueue_dma source(%dma_start3A_237 : memref<96xi32, #tpu.memory_space<hbm>>) target(%arg7 : memref<96xi32, #tpu.memory_space<vmem>>) target_semaphore(%arg28 : memref<!tpu.dma_semaphore, #tpu.memory_space<semaphore_mem>>)
      } else {
      }
      %mul3A_121 = arith.constant 4 : i32
      %mul3A_122 = arith.muli %scan3A_88, %mul3A_121 : i32
      %add3A_123 = arith.constant 1 : i32
      %add3A_124 = arith.addi %mul3A_122, %add3A_123 : i32
      %dma_wait3A_125 = arith.constant 0 : i32
      %dma_wait3A_126 = arith.constant 0 : i32
      %dma_wait3A_127 = tpu.memref_slice %arg2[%dma_wait3A_125, %dma_wait3A_126] : memref<10000x128xf32, #tpu.memory_space<hbm>> -> memref<10000x128xf32, #tpu.memory_space<hbm>>
      tpu.wait_indirect_dma semaphore(%arg21 : memref<!tpu.dma_semaphore, #tpu.memory_space<semaphore_mem>>) src(%dma_wait3A_127 : memref<10000x128xf32, #tpu.memory_space<hbm>>) dst(%arg16 : memref<96x128xf32, #tpu.memory_space<vmem>>)
      %mul3A_128 = arith.constant 10080 : i32
      %mul3A_129 = arith.muli %add3A, %mul3A_128 : i32
      %mul3A_130 = arith.constant 96 : i32
      %mul3A_131 = arith.muli %add3A_124, %mul3A_130 : i32
      %add3A_132 = arith.addi %mul3A_129, %mul3A_131 : i32
      %dma_wait3A_133 = tpu.memref_slice %arg4[%add3A_132] : memref<322560xi32, #tpu.memory_space<hbm>> -> memref<96xi32, #tpu.memory_space<hbm>>
      %dma_wait3A_134 = tpu.memref_slice %arg4[%add3A_132] : memref<322560xi32, #tpu.memory_space<hbm>> -> memref<96xi32, #tpu.memory_space<hbm>>
      tpu.wait_dma2 semaphore(%arg33 : memref<!tpu.dma_semaphore, #tpu.memory_space<semaphore_mem>>) src(%dma_wait3A_134 : memref<96xi32, #tpu.memory_space<hbm>>) dst(%arg12 : memref<96xi32, #tpu.memory_space<vmem>>)
      %dma_start3A_135 = arith.constant 0 : i32
      %dma_start3A_136 = arith.constant 0 : i32
      %dma_start3A_137 = tpu.memref_slice %arg19[%dma_start3A_135, %dma_start3A_136] : memref<10112x128xf32, #tpu.memory_space<vmem_shared>> -> memref<10112x128xf32, #tpu.memory_space<vmem_shared>>
      tpu.enqueue_indirect_dma source(%arg16 : memref<96x128xf32, #tpu.memory_space<vmem>>) target(%dma_start3A_137 : memref<10112x128xf32, #tpu.memory_space<vmem_shared>>) offsets(%arg12 : memref<96xi32, #tpu.memory_space<vmem>>) semaphore(%arg25 : memref<!tpu.dma_semaphore, #tpu.memory_space<semaphore_mem>>) {add = true}
      %ge3A_138 = arith.constant 2 : i32
      %ge3A_139 = arith.cmpi sge, %add3A_124, %ge3A_138 : i32
      %convert_element_type3A_140 = arith.extui %ge3A_139 : i1 to i32
      %cond3A_141 = arith.constant 0 : i32
      %cond3A_142 = arith.cmpi ne, %convert_element_type3A_140, %cond3A_141 : i32
      scf.if %cond3A_142 {
        %dma_wait3A_229 = arith.constant 0 : i32
        %dma_wait3A_230 = arith.constant 0 : i32
        %dma_wait3A_231 = tpu.memref_slice %arg19[%dma_wait3A_229, %dma_wait3A_230] : memref<10112x128xf32, #tpu.memory_space<vmem_shared>> -> memref<10112x128xf32, #tpu.memory_space<vmem_shared>>
        tpu.wait_indirect_dma semaphore(%arg27 : memref<!tpu.dma_semaphore, #tpu.memory_space<semaphore_mem>>) src(%arg18 : memref<96x128xf32, #tpu.memory_space<vmem>>) dst(%dma_wait3A_231 : memref<10112x128xf32, #tpu.memory_space<vmem_shared>>)
      } else {
      }
      %add3A_143 = arith.constant 2 : i32
      %add3A_144 = arith.addi %add3A_124, %add3A_143 : i32
      %lt3A_145 = arith.constant 105 : i32
      %lt3A_146 = arith.cmpi slt, %add3A_144, %lt3A_145 : i32
      %convert_element_type3A_147 = arith.extui %lt3A_146 : i1 to i32
      %cond3A_148 = arith.constant 0 : i32
      %cond3A_149 = arith.cmpi ne, %convert_element_type3A_147, %cond3A_148 : i32
      scf.if %cond3A_149 {
        %add3A_229 = arith.constant 2 : i32
        %add3A_230 = arith.addi %add3A_124, %add3A_229 : i32
        %mul3A_231 = arith.constant 10080 : i32
        %mul3A_232 = arith.muli %add3A, %mul3A_231 : i32
        %mul3A_233 = arith.constant 96 : i32
        %mul3A_234 = arith.muli %add3A_230, %mul3A_233 : i32
        %add3A_235 = arith.addi %mul3A_232, %mul3A_234 : i32
        %dma_start3A_236 = tpu.memref_slice %arg4[%add3A_235] : memref<322560xi32, #tpu.memory_space<hbm>> -> memref<96xi32, #tpu.memory_space<hbm>>
        %dma_start3A_237 = tpu.memref_slice %arg4[%add3A_235] : memref<322560xi32, #tpu.memory_space<hbm>> -> memref<96xi32, #tpu.memory_space<hbm>>
        tpu.enqueue_dma source(%dma_start3A_237 : memref<96xi32, #tpu.memory_space<hbm>>) target(%arg14 : memref<96xi32, #tpu.memory_space<vmem>>) target_semaphore(%arg35 : memref<!tpu.dma_semaphore, #tpu.memory_space<semaphore_mem>>)
        %add3A_238 = arith.constant 2 : i32
        %add3A_239 = arith.addi %add3A_124, %add3A_238 : i32
        %mul3A_240 = arith.constant 10080 : i32
        %mul3A_241 = arith.muli %add3A, %mul3A_240 : i32
        %mul3A_242 = arith.constant 96 : i32
        %mul3A_243 = arith.muli %add3A_239, %mul3A_242 : i32
        %add3A_244 = arith.addi %mul3A_241, %mul3A_243 : i32
        %dma_wait3A_245 = tpu.memref_slice %arg3[%add3A_244] : memref<322560xi32, #tpu.memory_space<hbm>> -> memref<96xi32, #tpu.memory_space<hbm>>
        %dma_wait3A_246 = tpu.memref_slice %arg3[%add3A_244] : memref<322560xi32, #tpu.memory_space<hbm>> -> memref<96xi32, #tpu.memory_space<hbm>>
        tpu.wait_dma2 semaphore(%arg31 : memref<!tpu.dma_semaphore, #tpu.memory_space<semaphore_mem>>) src(%dma_wait3A_246 : memref<96xi32, #tpu.memory_space<hbm>>) dst(%arg10 : memref<96xi32, #tpu.memory_space<vmem>>)
        %add3A_247 = arith.constant 2 : i32
        %add3A_248 = arith.addi %add3A_124, %add3A_247 : i32
        %dma_start3A_249 = arith.constant 0 : i32
        %dma_start3A_250 = arith.constant 0 : i32
        %dma_start3A_251 = tpu.memref_slice %arg2[%dma_start3A_249, %dma_start3A_250] : memref<10000x128xf32, #tpu.memory_space<hbm>> -> memref<10000x128xf32, #tpu.memory_space<hbm>>
        tpu.enqueue_indirect_dma source(%dma_start3A_251 : memref<10000x128xf32, #tpu.memory_space<hbm>>) target(%arg18 : memref<96x128xf32, #tpu.memory_space<vmem>>) offsets(%arg10 : memref<96xi32, #tpu.memory_space<vmem>>) semaphore(%arg23 : memref<!tpu.dma_semaphore, #tpu.memory_space<semaphore_mem>>)
      } else {
      }
      %add3A_150 = arith.constant 4 : i32
      %add3A_151 = arith.addi %add3A_124, %add3A_150 : i32
      %lt3A_152 = arith.constant 105 : i32
      %lt3A_153 = arith.cmpi slt, %add3A_151, %lt3A_152 : i32
      %convert_element_type3A_154 = arith.extui %lt3A_153 : i1 to i32
      %cond3A_155 = arith.constant 0 : i32
      %cond3A_156 = arith.cmpi ne, %convert_element_type3A_154, %cond3A_155 : i32
      scf.if %cond3A_156 {
        %add3A_229 = arith.constant 4 : i32
        %add3A_230 = arith.addi %add3A_124, %add3A_229 : i32
        %mul3A_231 = arith.constant 10080 : i32
        %mul3A_232 = arith.muli %add3A, %mul3A_231 : i32
        %mul3A_233 = arith.constant 96 : i32
        %mul3A_234 = arith.muli %add3A_230, %mul3A_233 : i32
        %add3A_235 = arith.addi %mul3A_232, %mul3A_234 : i32
        %dma_start3A_236 = tpu.memref_slice %arg3[%add3A_235] : memref<322560xi32, #tpu.memory_space<hbm>> -> memref<96xi32, #tpu.memory_space<hbm>>
        %dma_start3A_237 = tpu.memref_slice %arg3[%add3A_235] : memref<322560xi32, #tpu.memory_space<hbm>> -> memref<96xi32, #tpu.memory_space<hbm>>
        tpu.enqueue_dma source(%dma_start3A_237 : memref<96xi32, #tpu.memory_space<hbm>>) target(%arg8 : memref<96xi32, #tpu.memory_space<vmem>>) target_semaphore(%arg29 : memref<!tpu.dma_semaphore, #tpu.memory_space<semaphore_mem>>)
      } else {
      }
      %mul3A_157 = arith.constant 4 : i32
      %mul3A_158 = arith.muli %scan3A_88, %mul3A_157 : i32
      %add3A_159 = arith.constant 2 : i32
      %add3A_160 = arith.addi %mul3A_158, %add3A_159 : i32
      %dma_wait3A_161 = arith.constant 0 : i32
      %dma_wait3A_162 = arith.constant 0 : i32
      %dma_wait3A_163 = tpu.memref_slice %arg2[%dma_wait3A_161, %dma_wait3A_162] : memref<10000x128xf32, #tpu.memory_space<hbm>> -> memref<10000x128xf32, #tpu.memory_space<hbm>>
      tpu.wait_indirect_dma semaphore(%arg22 : memref<!tpu.dma_semaphore, #tpu.memory_space<semaphore_mem>>) src(%dma_wait3A_163 : memref<10000x128xf32, #tpu.memory_space<hbm>>) dst(%arg17 : memref<96x128xf32, #tpu.memory_space<vmem>>)
      %mul3A_164 = arith.constant 10080 : i32
      %mul3A_165 = arith.muli %add3A, %mul3A_164 : i32
      %mul3A_166 = arith.constant 96 : i32
      %mul3A_167 = arith.muli %add3A_160, %mul3A_166 : i32
      %add3A_168 = arith.addi %mul3A_165, %mul3A_167 : i32
      %dma_wait3A_169 = tpu.memref_slice %arg4[%add3A_168] : memref<322560xi32, #tpu.memory_space<hbm>> -> memref<96xi32, #tpu.memory_space<hbm>>
      %dma_wait3A_170 = tpu.memref_slice %arg4[%add3A_168] : memref<322560xi32, #tpu.memory_space<hbm>> -> memref<96xi32, #tpu.memory_space<hbm>>
      tpu.wait_dma2 semaphore(%arg34 : memref<!tpu.dma_semaphore, #tpu.memory_space<semaphore_mem>>) src(%dma_wait3A_170 : memref<96xi32, #tpu.memory_space<hbm>>) dst(%arg13 : memref<96xi32, #tpu.memory_space<vmem>>)
      %dma_start3A_171 = arith.constant 0 : i32
      %dma_start3A_172 = arith.constant 0 : i32
      %dma_start3A_173 = tpu.memref_slice %arg19[%dma_start3A_171, %dma_start3A_172] : memref<10112x128xf32, #tpu.memory_space<vmem_shared>> -> memref<10112x128xf32, #tpu.memory_space<vmem_shared>>
      tpu.enqueue_indirect_dma source(%arg17 : memref<96x128xf32, #tpu.memory_space<vmem>>) target(%dma_start3A_173 : memref<10112x128xf32, #tpu.memory_space<vmem_shared>>) offsets(%arg13 : memref<96xi32, #tpu.memory_space<vmem>>) semaphore(%arg26 : memref<!tpu.dma_semaphore, #tpu.memory_space<semaphore_mem>>) {add = true}
      %ge3A_174 = arith.constant 2 : i32
      %ge3A_175 = arith.cmpi sge, %add3A_160, %ge3A_174 : i32
      %convert_element_type3A_176 = arith.extui %ge3A_175 : i1 to i32
      %cond3A_177 = arith.constant 0 : i32
      %cond3A_178 = arith.cmpi ne, %convert_element_type3A_176, %cond3A_177 : i32
      scf.if %cond3A_178 {
        %dma_wait3A_229 = arith.constant 0 : i32
        %dma_wait3A_230 = arith.constant 0 : i32
        %dma_wait3A_231 = tpu.memref_slice %arg19[%dma_wait3A_229, %dma_wait3A_230] : memref<10112x128xf32, #tpu.memory_space<vmem_shared>> -> memref<10112x128xf32, #tpu.memory_space<vmem_shared>>
        tpu.wait_indirect_dma semaphore(%arg24 : memref<!tpu.dma_semaphore, #tpu.memory_space<semaphore_mem>>) src(%arg15 : memref<96x128xf32, #tpu.memory_space<vmem>>) dst(%dma_wait3A_231 : memref<10112x128xf32, #tpu.memory_space<vmem_shared>>)
      } else {
      }
      %add3A_179 = arith.constant 2 : i32
      %add3A_180 = arith.addi %add3A_160, %add3A_179 : i32
      %lt3A_181 = arith.constant 105 : i32
      %lt3A_182 = arith.cmpi slt, %add3A_180, %lt3A_181 : i32
      %convert_element_type3A_183 = arith.extui %lt3A_182 : i1 to i32
      %cond3A_184 = arith.constant 0 : i32
      %cond3A_185 = arith.cmpi ne, %convert_element_type3A_183, %cond3A_184 : i32
      scf.if %cond3A_185 {
        %add3A_229 = arith.constant 2 : i32
        %add3A_230 = arith.addi %add3A_160, %add3A_229 : i32
        %mul3A_231 = arith.constant 10080 : i32
        %mul3A_232 = arith.muli %add3A, %mul3A_231 : i32
        %mul3A_233 = arith.constant 96 : i32
        %mul3A_234 = arith.muli %add3A_230, %mul3A_233 : i32
        %add3A_235 = arith.addi %mul3A_232, %mul3A_234 : i32
        %dma_start3A_236 = tpu.memref_slice %arg4[%add3A_235] : memref<322560xi32, #tpu.memory_space<hbm>> -> memref<96xi32, #tpu.memory_space<hbm>>
        %dma_start3A_237 = tpu.memref_slice %arg4[%add3A_235] : memref<322560xi32, #tpu.memory_space<hbm>> -> memref<96xi32, #tpu.memory_space<hbm>>
        tpu.enqueue_dma source(%dma_start3A_237 : memref<96xi32, #tpu.memory_space<hbm>>) target(%arg11 : memref<96xi32, #tpu.memory_space<vmem>>) target_semaphore(%arg32 : memref<!tpu.dma_semaphore, #tpu.memory_space<semaphore_mem>>)
        %add3A_238 = arith.constant 2 : i32
        %add3A_239 = arith.addi %add3A_160, %add3A_238 : i32
        %mul3A_240 = arith.constant 10080 : i32
        %mul3A_241 = arith.muli %add3A, %mul3A_240 : i32
        %mul3A_242 = arith.constant 96 : i32
        %mul3A_243 = arith.muli %add3A_239, %mul3A_242 : i32
        %add3A_244 = arith.addi %mul3A_241, %mul3A_243 : i32
        %dma_wait3A_245 = tpu.memref_slice %arg3[%add3A_244] : memref<322560xi32, #tpu.memory_space<hbm>> -> memref<96xi32, #tpu.memory_space<hbm>>
        %dma_wait3A_246 = tpu.memref_slice %arg3[%add3A_244] : memref<322560xi32, #tpu.memory_space<hbm>> -> memref<96xi32, #tpu.memory_space<hbm>>
        tpu.wait_dma2 semaphore(%arg28 : memref<!tpu.dma_semaphore, #tpu.memory_space<semaphore_mem>>) src(%dma_wait3A_246 : memref<96xi32, #tpu.memory_space<hbm>>) dst(%arg7 : memref<96xi32, #tpu.memory_space<vmem>>)
        %add3A_247 = arith.constant 2 : i32
        %add3A_248 = arith.addi %add3A_160, %add3A_247 : i32
        %dma_start3A_249 = arith.constant 0 : i32
        %dma_start3A_250 = arith.constant 0 : i32
        %dma_start3A_251 = tpu.memref_slice %arg2[%dma_start3A_249, %dma_start3A_250] : memref<10000x128xf32, #tpu.memory_space<hbm>> -> memref<10000x128xf32, #tpu.memory_space<hbm>>
        tpu.enqueue_indirect_dma source(%dma_start3A_251 : memref<10000x128xf32, #tpu.memory_space<hbm>>) target(%arg15 : memref<96x128xf32, #tpu.memory_space<vmem>>) offsets(%arg7 : memref<96xi32, #tpu.memory_space<vmem>>) semaphore(%arg20 : memref<!tpu.dma_semaphore, #tpu.memory_space<semaphore_mem>>)
      } else {
      }
      %add3A_186 = arith.constant 4 : i32
      %add3A_187 = arith.addi %add3A_160, %add3A_186 : i32
      %lt3A_188 = arith.constant 105 : i32
      %lt3A_189 = arith.cmpi slt, %add3A_187, %lt3A_188 : i32
      %convert_element_type3A_190 = arith.extui %lt3A_189 : i1 to i32
      %cond3A_191 = arith.constant 0 : i32
      %cond3A_192 = arith.cmpi ne, %convert_element_type3A_190, %cond3A_191 : i32
      scf.if %cond3A_192 {
        %add3A_229 = arith.constant 4 : i32
        %add3A_230 = arith.addi %add3A_160, %add3A_229 : i32
        %mul3A_231 = arith.constant 10080 : i32
        %mul3A_232 = arith.muli %add3A, %mul3A_231 : i32
        %mul3A_233 = arith.constant 96 : i32
        %mul3A_234 = arith.muli %add3A_230, %mul3A_233 : i32
        %add3A_235 = arith.addi %mul3A_232, %mul3A_234 : i32
        %dma_start3A_236 = tpu.memref_slice %arg3[%add3A_235] : memref<322560xi32, #tpu.memory_space<hbm>> -> memref<96xi32, #tpu.memory_space<hbm>>
        %dma_start3A_237 = tpu.memref_slice %arg3[%add3A_235] : memref<322560xi32, #tpu.memory_space<hbm>> -> memref<96xi32, #tpu.memory_space<hbm>>
        tpu.enqueue_dma source(%dma_start3A_237 : memref<96xi32, #tpu.memory_space<hbm>>) target(%arg9 : memref<96xi32, #tpu.memory_space<vmem>>) target_semaphore(%arg30 : memref<!tpu.dma_semaphore, #tpu.memory_space<semaphore_mem>>)
      } else {
      }
      %mul3A_193 = arith.constant 4 : i32
      %mul3A_194 = arith.muli %scan3A_88, %mul3A_193 : i32
      %add3A_195 = arith.constant 3 : i32
      %add3A_196 = arith.addi %mul3A_194, %add3A_195 : i32
      %dma_wait3A_197 = arith.constant 0 : i32
      %dma_wait3A_198 = arith.constant 0 : i32
      %dma_wait3A_199 = tpu.memref_slice %arg2[%dma_wait3A_197, %dma_wait3A_198] : memref<10000x128xf32, #tpu.memory_space<hbm>> -> memref<10000x128xf32, #tpu.memory_space<hbm>>
      tpu.wait_indirect_dma semaphore(%arg23 : memref<!tpu.dma_semaphore, #tpu.memory_space<semaphore_mem>>) src(%dma_wait3A_199 : memref<10000x128xf32, #tpu.memory_space<hbm>>) dst(%arg18 : memref<96x128xf32, #tpu.memory_space<vmem>>)
      %mul3A_200 = arith.constant 10080 : i32
      %mul3A_201 = arith.muli %add3A, %mul3A_200 : i32
      %mul3A_202 = arith.constant 96 : i32
      %mul3A_203 = arith.muli %add3A_196, %mul3A_202 : i32
      %add3A_204 = arith.addi %mul3A_201, %mul3A_203 : i32
      %dma_wait3A_205 = tpu.memref_slice %arg4[%add3A_204] : memref<322560xi32, #tpu.memory_space<hbm>> -> memref<96xi32, #tpu.memory_space<hbm>>
      %dma_wait3A_206 = tpu.memref_slice %arg4[%add3A_204] : memref<322560xi32, #tpu.memory_space<hbm>> -> memref<96xi32, #tpu.memory_space<hbm>>
      tpu.wait_dma2 semaphore(%arg35 : memref<!tpu.dma_semaphore, #tpu.memory_space<semaphore_mem>>) src(%dma_wait3A_206 : memref<96xi32, #tpu.memory_space<hbm>>) dst(%arg14 : memref<96xi32, #tpu.memory_space<vmem>>)
      %dma_start3A_207 = arith.constant 0 : i32
      %dma_start3A_208 = arith.constant 0 : i32
      %dma_start3A_209 = tpu.memref_slice %arg19[%dma_start3A_207, %dma_start3A_208] : memref<10112x128xf32, #tpu.memory_space<vmem_shared>> -> memref<10112x128xf32, #tpu.memory_space<vmem_shared>>
      tpu.enqueue_indirect_dma source(%arg18 : memref<96x128xf32, #tpu.memory_space<vmem>>) target(%dma_start3A_209 : memref<10112x128xf32, #tpu.memory_space<vmem_shared>>) offsets(%arg14 : memref<96xi32, #tpu.memory_space<vmem>>) semaphore(%arg27 : memref<!tpu.dma_semaphore, #tpu.memory_space<semaphore_mem>>) {add = true}
      %ge3A_210 = arith.constant 2 : i32
      %ge3A_211 = arith.cmpi sge, %add3A_196, %ge3A_210 : i32
      %convert_element_type3A_212 = arith.extui %ge3A_211 : i1 to i32
      %cond3A_213 = arith.constant 0 : i32
      %cond3A_214 = arith.cmpi ne, %convert_element_type3A_212, %cond3A_213 : i32
      scf.if %cond3A_214 {
        %dma_wait3A_229 = arith.constant 0 : i32
        %dma_wait3A_230 = arith.constant 0 : i32
        %dma_wait3A_231 = tpu.memref_slice %arg19[%dma_wait3A_229, %dma_wait3A_230] : memref<10112x128xf32, #tpu.memory_space<vmem_shared>> -> memref<10112x128xf32, #tpu.memory_space<vmem_shared>>
        tpu.wait_indirect_dma semaphore(%arg25 : memref<!tpu.dma_semaphore, #tpu.memory_space<semaphore_mem>>) src(%arg16 : memref<96x128xf32, #tpu.memory_space<vmem>>) dst(%dma_wait3A_231 : memref<10112x128xf32, #tpu.memory_space<vmem_shared>>)
      } else {
      }
      %add3A_215 = arith.constant 2 : i32
      %add3A_216 = arith.addi %add3A_196, %add3A_215 : i32
      %lt3A_217 = arith.constant 105 : i32
      %lt3A_218 = arith.cmpi slt, %add3A_216, %lt3A_217 : i32
      %convert_element_type3A_219 = arith.extui %lt3A_218 : i1 to i32
      %cond3A_220 = arith.constant 0 : i32
      %cond3A_221 = arith.cmpi ne, %convert_element_type3A_219, %cond3A_220 : i32
      scf.if %cond3A_221 {
        %add3A_229 = arith.constant 2 : i32
        %add3A_230 = arith.addi %add3A_196, %add3A_229 : i32
        %mul3A_231 = arith.constant 10080 : i32
        %mul3A_232 = arith.muli %add3A, %mul3A_231 : i32
        %mul3A_233 = arith.constant 96 : i32
        %mul3A_234 = arith.muli %add3A_230, %mul3A_233 : i32
        %add3A_235 = arith.addi %mul3A_232, %mul3A_234 : i32
        %dma_start3A_236 = tpu.memref_slice %arg4[%add3A_235] : memref<322560xi32, #tpu.memory_space<hbm>> -> memref<96xi32, #tpu.memory_space<hbm>>
        %dma_start3A_237 = tpu.memref_slice %arg4[%add3A_235] : memref<322560xi32, #tpu.memory_space<hbm>> -> memref<96xi32, #tpu.memory_space<hbm>>
        tpu.enqueue_dma source(%dma_start3A_237 : memref<96xi32, #tpu.memory_space<hbm>>) target(%arg12 : memref<96xi32, #tpu.memory_space<vmem>>) target_semaphore(%arg33 : memref<!tpu.dma_semaphore, #tpu.memory_space<semaphore_mem>>)
        %add3A_238 = arith.constant 2 : i32
        %add3A_239 = arith.addi %add3A_196, %add3A_238 : i32
        %mul3A_240 = arith.constant 10080 : i32
        %mul3A_241 = arith.muli %add3A, %mul3A_240 : i32
        %mul3A_242 = arith.constant 96 : i32
        %mul3A_243 = arith.muli %add3A_239, %mul3A_242 : i32
        %add3A_244 = arith.addi %mul3A_241, %mul3A_243 : i32
        %dma_wait3A_245 = tpu.memref_slice %arg3[%add3A_244] : memref<322560xi32, #tpu.memory_space<hbm>> -> memref<96xi32, #tpu.memory_space<hbm>>
        %dma_wait3A_246 = tpu.memref_slice %arg3[%add3A_244] : memref<322560xi32, #tpu.memory_space<hbm>> -> memref<96xi32, #tpu.memory_space<hbm>>
        tpu.wait_dma2 semaphore(%arg29 : memref<!tpu.dma_semaphore, #tpu.memory_space<semaphore_mem>>) src(%dma_wait3A_246 : memref<96xi32, #tpu.memory_space<hbm>>) dst(%arg8 : memref<96xi32, #tpu.memory_space<vmem>>)
        %add3A_247 = arith.constant 2 : i32
        %add3A_248 = arith.addi %add3A_196, %add3A_247 : i32
        %dma_start3A_249 = arith.constant 0 : i32
        %dma_start3A_250 = arith.constant 0 : i32
        %dma_start3A_251 = tpu.memref_slice %arg2[%dma_start3A_249, %dma_start3A_250] : memref<10000x128xf32, #tpu.memory_space<hbm>> -> memref<10000x128xf32, #tpu.memory_space<hbm>>
        tpu.enqueue_indirect_dma source(%dma_start3A_251 : memref<10000x128xf32, #tpu.memory_space<hbm>>) target(%arg16 : memref<96x128xf32, #tpu.memory_space<vmem>>) offsets(%arg8 : memref<96xi32, #tpu.memory_space<vmem>>) semaphore(%arg21 : memref<!tpu.dma_semaphore, #tpu.memory_space<semaphore_mem>>)
      } else {
      }
      %add3A_222 = arith.constant 4 : i32
      %add3A_223 = arith.addi %add3A_196, %add3A_222 : i32
      %lt3A_224 = arith.constant 105 : i32
      %lt3A_225 = arith.cmpi slt, %add3A_223, %lt3A_224 : i32
      %convert_element_type3A_226 = arith.extui %lt3A_225 : i1 to i32
      %cond3A_227 = arith.constant 0 : i32
      %cond3A_228 = arith.cmpi ne, %convert_element_type3A_226, %cond3A_227 : i32
      scf.if %cond3A_228 {
        %add3A_229 = arith.constant 4 : i32
        %add3A_230 = arith.addi %add3A_196, %add3A_229 : i32
        %mul3A_231 = arith.constant 10080 : i32
        %mul3A_232 = arith.muli %add3A, %mul3A_231 : i32
        %mul3A_233 = arith.constant 96 : i32
        %mul3A_234 = arith.muli %add3A_230, %mul3A_233 : i32
        %add3A_235 = arith.addi %mul3A_232, %mul3A_234 : i32
        %dma_start3A_236 = tpu.memref_slice %arg3[%add3A_235] : memref<322560xi32, #tpu.memory_space<hbm>> -> memref<96xi32, #tpu.memory_space<hbm>>
        %dma_start3A_237 = tpu.memref_slice %arg3[%add3A_235] : memref<322560xi32, #tpu.memory_space<hbm>> -> memref<96xi32, #tpu.memory_space<hbm>>
        tpu.enqueue_dma source(%dma_start3A_237 : memref<96xi32, #tpu.memory_space<hbm>>) target(%arg10 : memref<96xi32, #tpu.memory_space<vmem>>) target_semaphore(%arg31 : memref<!tpu.dma_semaphore, #tpu.memory_space<semaphore_mem>>)
      } else {
      }
    }
    %scan3A_61 = arith.constant 26 : i32
    %dma_wait3A_62 = arith.constant 0 : i32
    %dma_wait3A_63 = arith.constant 0 : i32
    %dma_wait3A_64 = tpu.memref_slice %arg2[%dma_wait3A_62, %dma_wait3A_63] : memref<10000x128xf32, #tpu.memory_space<hbm>> -> memref<10000x128xf32, #tpu.memory_space<hbm>>
    tpu.wait_indirect_dma semaphore(%arg20 : memref<!tpu.dma_semaphore, #tpu.memory_space<semaphore_mem>>) src(%dma_wait3A_64 : memref<10000x128xf32, #tpu.memory_space<hbm>>) dst(%arg15 : memref<96x128xf32, #tpu.memory_space<vmem>>)
    %mul3A_65 = arith.constant 10080 : i32
    %mul3A_66 = arith.muli %add3A, %mul3A_65 : i32
    %add3A_67 = arith.constant 9984 : i32
    %add3A_68 = arith.addi %mul3A_66, %add3A_67 : i32
    %dma_wait3A_69 = tpu.memref_slice %arg4[%add3A_68] : memref<322560xi32, #tpu.memory_space<hbm>> -> memref<96xi32, #tpu.memory_space<hbm>>
    %dma_wait3A_70 = tpu.memref_slice %arg4[%add3A_68] : memref<322560xi32, #tpu.memory_space<hbm>> -> memref<96xi32, #tpu.memory_space<hbm>>
    tpu.wait_dma2 semaphore(%arg32 : memref<!tpu.dma_semaphore, #tpu.memory_space<semaphore_mem>>) src(%dma_wait3A_70 : memref<96xi32, #tpu.memory_space<hbm>>) dst(%arg11 : memref<96xi32, #tpu.memory_space<vmem>>)
    %dma_start3A_71 = arith.constant 0 : i32
    %dma_start3A_72 = arith.constant 0 : i32
    %dma_start3A_73 = tpu.memref_slice %arg19[%dma_start3A_71, %dma_start3A_72] : memref<10112x128xf32, #tpu.memory_space<vmem_shared>> -> memref<10112x128xf32, #tpu.memory_space<vmem_shared>>
    tpu.enqueue_indirect_dma source(%arg15 : memref<96x128xf32, #tpu.memory_space<vmem>>) target(%dma_start3A_73 : memref<10112x128xf32, #tpu.memory_space<vmem_shared>>) offsets(%arg11 : memref<96xi32, #tpu.memory_space<vmem>>) semaphore(%arg24 : memref<!tpu.dma_semaphore, #tpu.memory_space<semaphore_mem>>) {add = true}
    %dma_wait3A_74 = arith.constant 0 : i32
    %dma_wait3A_75 = arith.constant 0 : i32
    %dma_wait3A_76 = tpu.memref_slice %arg19[%dma_wait3A_74, %dma_wait3A_75] : memref<10112x128xf32, #tpu.memory_space<vmem_shared>> -> memref<10112x128xf32, #tpu.memory_space<vmem_shared>>
    tpu.wait_indirect_dma semaphore(%arg26 : memref<!tpu.dma_semaphore, #tpu.memory_space<semaphore_mem>>) src(%arg17 : memref<96x128xf32, #tpu.memory_space<vmem>>) dst(%dma_wait3A_76 : memref<10112x128xf32, #tpu.memory_space<vmem_shared>>)
    %dma_wait3A_77 = arith.constant 0 : i32
    %dma_wait3A_78 = arith.constant 0 : i32
    %dma_wait3A_79 = tpu.memref_slice %arg19[%dma_wait3A_77, %dma_wait3A_78] : memref<10112x128xf32, #tpu.memory_space<vmem_shared>> -> memref<10112x128xf32, #tpu.memory_space<vmem_shared>>
    tpu.wait_indirect_dma semaphore(%arg27 : memref<!tpu.dma_semaphore, #tpu.memory_space<semaphore_mem>>) src(%arg18 : memref<96x128xf32, #tpu.memory_space<vmem>>) dst(%dma_wait3A_79 : memref<10112x128xf32, #tpu.memory_space<vmem_shared>>)
    %dma_wait3A_80 = arith.constant 0 : i32
    %dma_wait3A_81 = arith.constant 0 : i32
    %dma_wait3A_82 = tpu.memref_slice %arg19[%dma_wait3A_80, %dma_wait3A_81] : memref<10112x128xf32, #tpu.memory_space<vmem_shared>> -> memref<10112x128xf32, #tpu.memory_space<vmem_shared>>
    tpu.wait_indirect_dma semaphore(%arg24 : memref<!tpu.dma_semaphore, #tpu.memory_space<semaphore_mem>>) src(%arg15 : memref<96x128xf32, #tpu.memory_space<vmem>>) dst(%dma_wait3A_82 : memref<10112x128xf32, #tpu.memory_space<vmem_shared>>)
    %barrier3A_83 = arith.constant 0 : index
    tpu.barrier barrier_id(%barrier3A_83)
    %mul3A_84 = arith.constant 632 : i32
    %mul3A_85 = arith.muli %arg1, %mul3A_84 : i32
    %mul3A_86 = arith.constant 632 : i32
    %mul3A_87 = arith.muli %arg1, %mul3A_86 : i32
    "tpu.region"() ({
      %run_scoped3A = tpu.sem_alloc : memref<!tpu.dma_semaphore, #tpu.memory_space<semaphore_mem>>
      %dma_start3A_88 = arith.constant 0 : i32
      %dma_start3A_89 = tpu.memref_slice %arg6[%arg0, %mul3A_87, %dma_start3A_88] : memref<2x10112x128xf32, #tpu.memory_space<hbm>> -> memref<1x632x128xf32, #tpu.memory_space<hbm>>
      %dma_start3A_90 = tpu.memref_squeeze %dma_start3A_89 : memref<1x632x128xf32, #tpu.memory_space<hbm>> -> memref<632x128xf32, #tpu.memory_space<hbm>>
      %dma_start3A_91 = arith.constant 0 : i32
      %dma_start3A_92 = tpu.memref_slice %arg19[%mul3A_85, %dma_start3A_91] : memref<10112x128xf32, #tpu.memory_space<vmem_shared>> -> memref<632x128xf32, #tpu.memory_space<vmem_shared>>
      tpu.enqueue_dma source(%dma_start3A_92 : memref<632x128xf32, #tpu.memory_space<vmem_shared>>) target(%dma_start3A_90 : memref<632x128xf32, #tpu.memory_space<hbm>>) target_semaphore(%run_scoped3A : memref<!tpu.dma_semaphore, #tpu.memory_space<semaphore_mem>>)
      %dma_wait3A_93 = arith.constant 0 : i32
      %dma_wait3A_94 = tpu.memref_slice %arg6[%arg0, %mul3A_87, %dma_wait3A_93] : memref<2x10112x128xf32, #tpu.memory_space<hbm>> -> memref<1x632x128xf32, #tpu.memory_space<hbm>>
      %dma_wait3A_95 = tpu.memref_squeeze %dma_wait3A_94 : memref<1x632x128xf32, #tpu.memory_space<hbm>> -> memref<632x128xf32, #tpu.memory_space<hbm>>
      %dma_wait3A_96 = arith.constant 0 : i32
      %dma_wait3A_97 = tpu.memref_slice %arg19[%mul3A_85, %dma_wait3A_96] : memref<10112x128xf32, #tpu.memory_space<vmem_shared>> -> memref<632x128xf32, #tpu.memory_space<vmem_shared>>
      tpu.wait_dma2 semaphore(%run_scoped3A : memref<!tpu.dma_semaphore, #tpu.memory_space<semaphore_mem>>) src(%dma_wait3A_97 : memref<632x128xf32, #tpu.memory_space<vmem_shared>>) dst(%dma_wait3A_95 : memref<632x128xf32, #tpu.memory_space<hbm>>)
      tpu.yield
    }) : () -> ()
    return
  }
}

module attributes {stable_mosaic.version = 14 : i64} {
  func.func @_prep_body(%arg0: i32, %arg1: memref<2000x128xf32, #tpu.memory_space<vmem>>, %arg2: memref<2000x32xf32, #tpu.memory_space<vmem>>, %arg3: memref<2000x32xf32, #tpu.memory_space<vmem>>, %arg4: memref<2000x128xf32, #tpu.memory_space<vmem>>, %arg5: memref<2000x1xf32, #tpu.memory_space<vmem>>, %arg6: memref<2000x1xf32, #tpu.memory_space<vmem>>) attributes {dimension_semantics = [#tpu.dimension_semantics<arbitrary>], iteration_bounds = array<i64: 5>, scalar_prefetch = 0 : i64, scratch_operands = 0 : i64, tpu.core_type = #tpu.core_type<tc>, window_params = [{transform_indices = @transform_0, window_bounds = array<i64: 2000, 128>}, {transform_indices = @transform_1, window_bounds = array<i64: 2000, 32>}, {transform_indices = @transform_2, window_bounds = array<i64: 2000, 32>}, {transform_indices = @transform_3, window_bounds = array<i64: 2000, 128>}, {transform_indices = @transform_4, window_bounds = array<i64: 2000, 1>}, {transform_indices = @transform_5, window_bounds = array<i64: 2000, 1>}]} {
    %get3A = arith.constant 0 : index
    %get3A_0 = arith.constant 0 : index
    %get3A_1 = vector.load %arg2[%get3A, %get3A_0] : memref<2000x32xf32, #tpu.memory_space<vmem>>, vector<2000x32xf32>
    %reduce_sum3A = arith.constant dense<0.000000e+00> : vector<2000xf32>
    %reduce_sum3A_2 = vector.multi_reduction <add>, %get3A_1, %reduce_sum3A [1] : vector<2000x32xf32> to vector<2000xf32>
    %broadcast_in_dim3A = vector.shape_cast %reduce_sum3A_2 : vector<2000xf32> to vector<2000x1xf32>
    %get3A_3 = arith.constant 0 : index
    %get3A_4 = arith.constant 0 : index
    %get3A_5 = vector.load %arg3[%get3A_3, %get3A_4] : memref<2000x32xf32, #tpu.memory_space<vmem>>, vector<2000x32xf32>
    %reduce_sum3A_6 = arith.constant dense<0.000000e+00> : vector<2000xf32>
    %reduce_sum3A_7 = vector.multi_reduction <add>, %get3A_5, %reduce_sum3A_6 [1] : vector<2000x32xf32> to vector<2000xf32>
    %broadcast_in_dim3A_8 = vector.shape_cast %reduce_sum3A_7 : vector<2000xf32> to vector<2000x1xf32>
    %gt3A = arith.constant 0.000000e+00 : f32
    %gt3A_9 = vector.broadcast %gt3A : f32 to vector<2000x1xf32>
    %gt3A_10 = arith.cmpf ogt, %broadcast_in_dim3A, %gt3A_9 : vector<2000x1xf32>
    %rsqrt3A = math.rsqrt %broadcast_in_dim3A : vector<2000x1xf32>
    %jit3A = arith.constant 0.000000e+00 : f32
    %broadcast_in_dim3A_11 = vector.broadcast %jit3A : f32 to vector<2000x1xf32>
    %select_n3A = arith.select %gt3A_10, %rsqrt3A, %broadcast_in_dim3A_11 : vector<2000x1xi1>, vector<2000x1xf32>
    %gt3A_12 = arith.constant 0.000000e+00 : f32
    %gt3A_13 = vector.broadcast %gt3A_12 : f32 to vector<2000x1xf32>
    %gt3A_14 = arith.cmpf ogt, %broadcast_in_dim3A_8, %gt3A_13 : vector<2000x1xf32>
    %rsqrt3A_15 = math.rsqrt %broadcast_in_dim3A_8 : vector<2000x1xf32>
    %jit3A_16 = arith.constant 0.000000e+00 : f32
    %broadcast_in_dim3A_17 = vector.broadcast %jit3A_16 : f32 to vector<2000x1xf32>
    %select_n3A_18 = arith.select %gt3A_14, %rsqrt3A_15, %broadcast_in_dim3A_17 : vector<2000x1xi1>, vector<2000x1xf32>
    %swap3A = arith.constant 0 : index
    %swap3A_19 = arith.constant 0 : index
    %swap3A_20 = vector.load %arg5[%swap3A, %swap3A_19] : memref<2000x1xf32, #tpu.memory_space<vmem>>, vector<2000x1xf32>
    tpu.vector_store %arg5[%swap3A, %swap3A_19], %select_n3A {strides = array<i32>} : memref<2000x1xf32, #tpu.memory_space<vmem>>, vector<2000x1xf32>,
    %swap3A_21 = arith.constant 0 : index
    %swap3A_22 = arith.constant 0 : index
    %swap3A_23 = vector.load %arg6[%swap3A_21, %swap3A_22] : memref<2000x1xf32, #tpu.memory_space<vmem>>, vector<2000x1xf32>
    tpu.vector_store %arg6[%swap3A_21, %swap3A_22], %select_n3A_18 {strides = array<i32>} : memref<2000x1xf32, #tpu.memory_space<vmem>>, vector<2000x1xf32>,
    %get3A_24 = arith.constant 0 : index
    %get3A_25 = arith.constant 0 : index
    %get3A_26 = vector.load %arg1[%get3A_24, %get3A_25] : memref<2000x128xf32, #tpu.memory_space<vmem>>, vector<2000x128xf32>
    %mul3A = vector.broadcast %select_n3A : vector<2000x1xf32> to vector<2000x128xf32>
    %mul3A_27 = arith.mulf %get3A_26, %mul3A : vector<2000x128xf32>
    %swap3A_28 = arith.constant 0 : index
    %swap3A_29 = arith.constant 0 : index
    %swap3A_30 = vector.load %arg4[%swap3A_28, %swap3A_29] : memref<2000x128xf32, #tpu.memory_space<vmem>>, vector<2000x128xf32>
    tpu.vector_store %arg4[%swap3A_28, %swap3A_29], %mul3A_27 {strides = array<i32>} : memref<2000x128xf32, #tpu.memory_space<vmem>>, vector<2000x128xf32>,
    return
  }
  func.func @transform_0(%arg0: i32) -> (i32, i32) {
    %c0_i32 = arith.constant 0 : i32
    %c0_i32_0 = arith.constant 0 : i32
    return %arg0, %c0_i32 : i32, i32
  }
  func.func @transform_1(%arg0: i32) -> (i32, i32) {
    %c0_i32 = arith.constant 0 : i32
    %c0_i32_0 = arith.constant 0 : i32
    return %arg0, %c0_i32 : i32, i32
  }
  func.func @transform_2(%arg0: i32) -> (i32, i32) {
    %c0_i32 = arith.constant 0 : i32
    %c0_i32_0 = arith.constant 0 : i32
    return %arg0, %c0_i32 : i32, i32
  }
  func.func @transform_3(%arg0: i32) -> (i32, i32) {
    %c0_i32 = arith.constant 0 : i32
    %c0_i32_0 = arith.constant 0 : i32
    return %arg0, %c0_i32 : i32, i32
  }
  func.func @transform_4(%arg0: i32) -> (i32, i32) {
    %c0_i32 = arith.constant 0 : i32
    %c0_i32_0 = arith.constant 0 : i32
    return %arg0, %c0_i32 : i32, i32
  }
  func.func @transform_5(%arg0: i32) -> (i32, i32) {
    %c0_i32 = arith.constant 0 : i32
    %c0_i32_0 = arith.constant 0 : i32
    return %arg0, %c0_i32 : i32, i32
  }
}

module attributes {stable_mosaic.version = 14 : i64} {
  func.func @_dense_body(%arg0: i32, %arg1: memref<2x2000x128xf32, #tpu.memory_space<vmem>>, %arg2: memref<2000x1xf32, #tpu.memory_space<vmem>>, %arg3: memref<2000x1xf32, #tpu.memory_space<vmem>>, %arg4: memref<128x128xf32, #tpu.memory_space<vmem>>, %arg5: memref<1x128xf32, #tpu.memory_space<vmem>>, %arg6: memref<2000x128xf32, #tpu.memory_space<vmem>>) attributes {dimension_semantics = [#tpu.dimension_semantics<arbitrary>], iteration_bounds = array<i64: 5>, scalar_prefetch = 0 : i64, scratch_operands = 0 : i64, tpu.core_type = #tpu.core_type<tc>, window_params = [{transform_indices = @transform_0, window_bounds = array<i64: 2, 2000, 128>}, {transform_indices = @transform_1, window_bounds = array<i64: 2000, 1>}, {transform_indices = @transform_2, window_bounds = array<i64: 2000, 1>}, {pipeline_mode = #tpu.pipeline_mode<synchronous>, transform_indices = @transform_3, window_bounds = array<i64: 128, 128>}, {pipeline_mode = #tpu.pipeline_mode<synchronous>, transform_indices = @transform_4, window_bounds = array<i64: 1, 128>}, {transform_indices = @transform_5, window_bounds = array<i64: 2000, 128>}]} {
    %get3A = arith.constant 0 : index
    %get3A_0 = arith.constant 0 : index
    %get3A_1 = arith.constant 0 : index
    %get3A_2 = vector.load %arg1[%get3A, %get3A_0, %get3A_1] : memref<2x2000x128xf32, #tpu.memory_space<vmem>>, vector<1x2000x128xf32>
    %get3A_3 = vector.shape_cast %get3A_2 : vector<1x2000x128xf32> to vector<2000x128xf32>
    %get3A_4 = arith.constant 1 : index
    %get3A_5 = arith.constant 0 : index
    %get3A_6 = arith.constant 0 : index
    %get3A_7 = vector.load %arg1[%get3A_4, %get3A_5, %get3A_6] : memref<2x2000x128xf32, #tpu.memory_space<vmem>>, vector<1x2000x128xf32>
    %get3A_8 = vector.shape_cast %get3A_7 : vector<1x2000x128xf32> to vector<2000x128xf32>
    %add3A = arith.addf %get3A_3, %get3A_8 : vector<2000x128xf32>
    %get3A_9 = arith.constant 0 : index
    %get3A_10 = arith.constant 0 : index
    %get3A_11 = vector.load %arg2[%get3A_9, %get3A_10] : memref<2000x1xf32, #tpu.memory_space<vmem>>, vector<2000x1xf32>
    %mul3A = vector.broadcast %get3A_11 : vector<2000x1xf32> to vector<2000x128xf32>
    %mul3A_12 = arith.mulf %add3A, %mul3A : vector<2000x128xf32>
    %get3A_13 = arith.constant 0 : index
    %get3A_14 = arith.constant 0 : index
    %get3A_15 = vector.load %arg4[%get3A_13, %get3A_14] : memref<128x128xf32, #tpu.memory_space<vmem>>, vector<128x128xf32>
    %dot_general3A = arith.constant dense<0.000000e+00> : vector<2000x128xf32>
    %dot_general3A_16 = tpu.matmul %mul3A_12, %get3A_15, %dot_general3A {dimension_numbers = #tpu.dot_dimension_numbers<[1], [0], [0], [1], [0, 0, 1, 1], [], []>, transpose_lhs_hint = false} : vector<2000x128xf32>, vector<128x128xf32>, vector<2000x128xf32> -> vector<2000x128xf32>
    %get3A_17 = arith.constant 0 : index
    %get3A_18 = arith.constant 0 : index
    %get3A_19 = vector.load %arg5[%get3A_17, %get3A_18] : memref<1x128xf32, #tpu.memory_space<vmem>>, vector<1x128xf32>
    %add3A_20 = vector.broadcast %get3A_19 : vector<1x128xf32> to vector<2000x128xf32>
    %add3A_21 = arith.addf %dot_general3A_16, %add3A_20 : vector<2000x128xf32>
    %tanh3A = math.tanh %add3A_21 : vector<2000x128xf32>
    %get3A_22 = arith.constant 0 : index
    %get3A_23 = arith.constant 0 : index
    %get3A_24 = vector.load %arg3[%get3A_22, %get3A_23] : memref<2000x1xf32, #tpu.memory_space<vmem>>, vector<2000x1xf32>
    %mul3A_25 = vector.broadcast %get3A_24 : vector<2000x1xf32> to vector<2000x128xf32>
    %mul3A_26 = arith.mulf %tanh3A, %mul3A_25 : vector<2000x128xf32>
    %swap3A = arith.constant 0 : index
    %swap3A_27 = arith.constant 0 : index
    %swap3A_28 = vector.load %arg6[%swap3A, %swap3A_27] : memref<2000x128xf32, #tpu.memory_space<vmem>>, vector<2000x128xf32>
    tpu.vector_store %arg6[%swap3A, %swap3A_27], %mul3A_26 {strides = array<i32>} : memref<2000x128xf32, #tpu.memory_space<vmem>>, vector<2000x128xf32>,
    return
  }
  func.func @transform_0(%arg0: i32) -> (i32, i32, i32) {
    %c0_i32 = arith.constant 0 : i32
    %c0_i32_0 = arith.constant 0 : i32
    %c0_i32_1 = arith.constant 0 : i32
    return %c0_i32, %arg0, %c0_i32_0 : i32, i32, i32
  }
  func.func @transform_1(%arg0: i32) -> (i32, i32) {
    %c0_i32 = arith.constant 0 : i32
    %c0_i32_0 = arith.constant 0 : i32
    return %arg0, %c0_i32 : i32, i32
  }
  func.func @transform_2(%arg0: i32) -> (i32, i32) {
    %c0_i32 = arith.constant 0 : i32
    %c0_i32_0 = arith.constant 0 : i32
    return %arg0, %c0_i32 : i32, i32
  }
  func.func @transform_3(%arg0: i32) -> (i32, i32) {
    %c0_i32 = arith.constant 0 : i32
    %c0_i32_0 = arith.constant 0 : i32
    %c0_i32_1 = arith.constant 0 : i32
    return %c0_i32, %c0_i32_0 : i32, i32
  }
  func.func @transform_4(%arg0: i32) -> (i32, i32) {
    %c0_i32 = arith.constant 0 : i32
    %c0_i32_0 = arith.constant 0 : i32
    %c0_i32_1 = arith.constant 0 : i32
    return %c0_i32, %c0_i32_0 : i32, i32
  }
  func.func @transform_5(%arg0: i32) -> (i32, i32) {
    %c0_i32 = arith.constant 0 : i32
    %c0_i32_0 = arith.constant 0 : i32
    return %arg0, %c0_i32 : i32, i32
  }
}

module attributes {stable_mosaic.version = 14 : i64} {
  func.func @_dense_body(%arg0: i32, %arg1: memref<2x2000x128xf32, #tpu.memory_space<vmem>>, %arg2: memref<2000x1xf32, #tpu.memory_space<vmem>>, %arg3: memref<2000x1xf32, #tpu.memory_space<vmem>>, %arg4: memref<128x128xf32, #tpu.memory_space<vmem>>, %arg5: memref<1x128xf32, #tpu.memory_space<vmem>>, %arg6: memref<2000x128xf32, #tpu.memory_space<vmem>>) attributes {dimension_semantics = [#tpu.dimension_semantics<arbitrary>], iteration_bounds = array<i64: 5>, scalar_prefetch = 0 : i64, scratch_operands = 0 : i64, tpu.core_type = #tpu.core_type<tc>, window_params = [{transform_indices = @transform_0, window_bounds = array<i64: 2, 2000, 128>}, {transform_indices = @transform_1, window_bounds = array<i64: 2000, 1>}, {transform_indices = @transform_2, window_bounds = array<i64: 2000, 1>}, {pipeline_mode = #tpu.pipeline_mode<synchronous>, transform_indices = @transform_3, window_bounds = array<i64: 128, 128>}, {pipeline_mode = #tpu.pipeline_mode<synchronous>, transform_indices = @transform_4, window_bounds = array<i64: 1, 128>}, {transform_indices = @transform_5, window_bounds = array<i64: 2000, 128>}]} {
    %get3A = arith.constant 0 : index
    %get3A_0 = arith.constant 0 : index
    %get3A_1 = arith.constant 0 : index
    %get3A_2 = vector.load %arg1[%get3A, %get3A_0, %get3A_1] : memref<2x2000x128xf32, #tpu.memory_space<vmem>>, vector<1x2000x128xf32>
    %get3A_3 = vector.shape_cast %get3A_2 : vector<1x2000x128xf32> to vector<2000x128xf32>
    %get3A_4 = arith.constant 1 : index
    %get3A_5 = arith.constant 0 : index
    %get3A_6 = arith.constant 0 : index
    %get3A_7 = vector.load %arg1[%get3A_4, %get3A_5, %get3A_6] : memref<2x2000x128xf32, #tpu.memory_space<vmem>>, vector<1x2000x128xf32>
    %get3A_8 = vector.shape_cast %get3A_7 : vector<1x2000x128xf32> to vector<2000x128xf32>
    %add3A = arith.addf %get3A_3, %get3A_8 : vector<2000x128xf32>
    %get3A_9 = arith.constant 0 : index
    %get3A_10 = arith.constant 0 : index
    %get3A_11 = vector.load %arg2[%get3A_9, %get3A_10] : memref<2000x1xf32, #tpu.memory_space<vmem>>, vector<2000x1xf32>
    %mul3A = vector.broadcast %get3A_11 : vector<2000x1xf32> to vector<2000x128xf32>
    %mul3A_12 = arith.mulf %add3A, %mul3A : vector<2000x128xf32>
    %get3A_13 = arith.constant 0 : index
    %get3A_14 = arith.constant 0 : index
    %get3A_15 = vector.load %arg4[%get3A_13, %get3A_14] : memref<128x128xf32, #tpu.memory_space<vmem>>, vector<128x128xf32>
    %dot_general3A = arith.constant dense<0.000000e+00> : vector<2000x128xf32>
    %dot_general3A_16 = tpu.matmul %mul3A_12, %get3A_15, %dot_general3A {dimension_numbers = #tpu.dot_dimension_numbers<[1], [0], [0], [1], [0, 0, 1, 1], [], []>, transpose_lhs_hint = false} : vector<2000x128xf32>, vector<128x128xf32>, vector<2000x128xf32> -> vector<2000x128xf32>
    %get3A_17 = arith.constant 0 : index
    %get3A_18 = arith.constant 0 : index
    %get3A_19 = vector.load %arg5[%get3A_17, %get3A_18] : memref<1x128xf32, #tpu.memory_space<vmem>>, vector<1x128xf32>
    %add3A_20 = vector.broadcast %get3A_19 : vector<1x128xf32> to vector<2000x128xf32>
    %add3A_21 = arith.addf %dot_general3A_16, %add3A_20 : vector<2000x128xf32>
    %swap3A = arith.constant 0 : index
    %swap3A_22 = arith.constant 0 : index
    %swap3A_23 = vector.load %arg6[%swap3A, %swap3A_22] : memref<2000x128xf32, #tpu.memory_space<vmem>>, vector<2000x128xf32>
    tpu.vector_store %arg6[%swap3A, %swap3A_22], %add3A_21 {strides = array<i32>} : memref<2000x128xf32, #tpu.memory_space<vmem>>, vector<2000x128xf32>,
    return
  }
  func.func @transform_0(%arg0: i32) -> (i32, i32, i32) {
    %c0_i32 = arith.constant 0 : i32
    %c0_i32_0 = arith.constant 0 : i32
    %c0_i32_1 = arith.constant 0 : i32
    return %c0_i32, %arg0, %c0_i32_0 : i32, i32, i32
  }
  func.func @transform_1(%arg0: i32) -> (i32, i32) {
    %c0_i32 = arith.constant 0 : i32
    %c0_i32_0 = arith.constant 0 : i32
    return %arg0, %c0_i32 : i32, i32
  }
  func.func @transform_2(%arg0: i32) -> (i32, i32) {
    %c0_i32 = arith.constant 0 : i32
    %c0_i32_0 = arith.constant 0 : i32
    return %arg0, %c0_i32 : i32, i32
  }
  func.func @transform_3(%arg0: i32) -> (i32, i32) {
    %c0_i32 = arith.constant 0 : i32
    %c0_i32_0 = arith.constant 0 : i32
    %c0_i32_1 = arith.constant 0 : i32
    return %c0_i32, %c0_i32_0 : i32, i32
  }
  func.func @transform_4(%arg0: i32) -> (i32, i32) {
    %c0_i32 = arith.constant 0 : i32
    %c0_i32_0 = arith.constant 0 : i32
    %c0_i32_1 = arith.constant 0 : i32
    return %c0_i32, %c0_i32_0 : i32, i32
  }
  func.func @transform_5(%arg0: i32) -> (i32, i32) {
    %c0_i32 = arith.constant 0 : i32
    %c0_i32_0 = arith.constant 0 : i32
    return %arg0, %c0_i32 : i32, i32
  }
}

</mosaic_0001>

<sc_bundles>
// kernel: kernel.11.cloned.1.call-start
scs
__scs_entry_jumppad:
0x0: {  	(pc) =	sbr.rel $0x88, $3  }
0x1: {  	(tag) =	ssettag $0x0;
	lr =	simm.s32 $0x1  }
0x2: {  	[smem:$0x3F9B] =	sst lr;
	_ =	strace $0xD0000000  }
0x3: {  	_ = 	snop  }
0x4: {  	_ = 	snop  }
0x5: {  	_ = 	snop  }
0x6: {  	_ = 	snop  }
0x7: {  	_ = 	snop  }
__scs_overlays_trampoline_lowered:
0x8: {  	[smem:$0x3FAA] =	sst s0  }
0x9: {  	[smem:$0x3FAB] =	sst s1  }
0xa: {  	[smem:$0x3FAC] =	sst s2  }
0xb: {  	[smem:$0x3FAD] =	sst s3  }
0xc: {  	[smem:$0x3FAE] =	sst s4  }
0xd: {  	[smem:$0x3FAF] =	sst s5  }
0xe: {  	[smem:$0x3FB0] =	sst s6  }
0xf: {  	[smem:$0x3FB1] =	sst s7  }
0x10: {  	[smem:$0x3FB2] =	sst s8  }
0x11: {  	[smem:$0x3FB3] =	sst s9;
	s0 =	simm.s32 @!p0 $0x0  }
0x12: {  	s1 =	sld [smem:$0x3F99];
	s0 =	simm.s32 @p0 $0x1  }
0x13: {  	[smem:$0x3FB4] =	sst s0;
	s0 =	simm.s32 @!p1 $0x0  }
0x14: {  	s2 =	sld [smem:$0x3F98];
	s0 =	simm.s32 @p1 $0x1  }
0x15: {  	[smem:$0x3FB5] =	sst s0;
	s0 =	simm.s32 @!p2 $0x0  }
0x16: {  	s3 =	sld [smem:$0x3FDB];
	s0 =	simm.s32 @p2 $0x1  }
0x17: {  	s4 =	simm.s32 $0x1BF5;
	[smem:$0x3FB7] =	sst s0  }
0x18: {  	s0 =	sld [smem:$0x3F9A];
	_ =	swait.ge [sflag:s4], $0x0  }
0x19: {  	s7 =	sld [smem:$0x3F9B]  }
0x1a: {  	s8 =	sadd.s32 $0xFFFFE003, lr  }
0x1b: {  	s9 =	sadd.s32 $0xFFFFFEF7, lr;
	s5 =	simm.s32 $0xFFFFFFFF;
	p2 =	slt.u32 s8, $0xFFFFF086  }
0x1c: {  	p1 =	slt.u32 s9, $0xF7A;
	s5 =	simm.s32 @!p2 $0x0  }
0x1d: {  	s5 =	simm.s32 @p1 $0x1;
	p0 =	seq.s32 s7, s2  }
0x1e: {  	s7 =	smul.u32 @!p0 $0xF7A, s2;
	p2 =	seq.s32 @!p0 s5, $0x0  }
0x1f: {  	s9 =	smul.u32 $0xF7A, s1;
	s8 =	simm.s32 @!p0 $0x1BF5;
	p2 =	por !p2, p0  }
0x20: {  	[sflag:s8] =	ssyncset.s32 @!p0 $0xFFFFF086;
	s6 =	sadd.s32 @!p0 s3, s7;
	s7 =	simm.s32 @!p0 $0x108  }
0x21: {  	s3 =	sadd.s32 s3, s9;
	s6 =	sadd.s32 @!p0 $0x88, s6;
	s7 =	simm.s32 @p2 $0x1082  }
0x22: {  	[simem:s7], [sflag:s8] =	dma.local @!p0 [hbm:s6], $0xF7A  }
0x23: {  	s9 =	sor.u32 $0xD0000000, s2;
	s6 =	simm.s32 $0x108;
	_ =	swait.ge @!p0 [sflag:s8], $0x0  }
0x24: {  	s3 =	sadd.s32 $0x88, s3;
	s6 =	simm.s32 @!p1 $0x1082;
	[sflag:s4] =	ssyncset.s32 $0xFFFFF086  }
0x25: {  	[simem:s6], [sflag:s4] =	dma.local [hbm:s3], $0xF7A  }
0x26: {  	[smem:$0x3F9B] =	sst s1;
	(tag) =	ssettag s2;
	_ =	strace s9  }
0x27: {  	s1 =	sld [smem:$0x3FAB]  }
0x28: {  	s2 =	sld [smem:$0x3FAC]  }
0x29: {  	s4 =	sld [smem:$0x3FAE]  }
0x2a: {  	p0 =	seq.s32 s5, $0x0;
	s5 =	sld [smem:$0x3FAF]  }
0x2b: {  	s6 =	sld [smem:$0x3FB0]  }
0x2c: {  	s7 =	sld [smem:$0x3FB1]  }
0x2d: {  	s3 =	simm.s32 $0x108;
	s8 =	sld [smem:$0x3FB2]  }
0x2e: {  	s3 =	simm.s32 @!p0 $0x1082;
	s9 =	sld [smem:$0x3FB3]  }
0x2f: {  	lr =	sadd.s32 s0, s3;
	s0 =	sld [smem:$0x3FAA]  }
0x30: {  	s3 =	sld [smem:$0x3FAD]  }
0x31: {  	[smem:$0x3FB6] =	sst s10  }
0x32: {  	s10 =	sld [smem:$0x3FB4];
	_ =	sdelay $0x3  }
0x33: {  	p0 =	seq.s32 s10, $0x1;
	s10 =	sld [smem:$0x3FB6];
	_ =	sdelay $0x3  }
0x34: {  	[smem:$0x3FB6] =	sst s10  }
0x35: {  	s10 =	sld [smem:$0x3FB5];
	_ =	sdelay $0x3  }
0x36: {  	p1 =	seq.s32 s10, $0x1;
	s10 =	sld [smem:$0x3FB6];
	_ =	sdelay $0x3  }
0x37: {  	[smem:$0x3FB6] =	sst s10  }
0x38: {  	s10 =	sld [smem:$0x3FB7]  }
0x39: {  	_ = 	snop;
	(pc) =	sbr.ind lr, $3  }
0x3a: {  	_ = 	snop  }
0x3b: {  	_ = 	snop  }
0x3c: {  	p2 =	seq.s32 s10, $0x1;
	s10 =	sld [smem:$0x3FB6]  }
0x3d: {  	_ =	shalt  }
0x3e: {  	_ =	shalt  }
0x3f: {  	_ =	shalt  }
0x40: {  	_ =	shalt  }
0x41: {  	_ =	shalt  }
0x42: {  	_ =	shalt  }
0x43: {  	_ =	shalt  }
0x44: {  	_ =	shalt  }
0x45: {  	_ =	shalt  }
0x46: {  	_ =	shalt  }
0x47: {  	_ =	shalt  }
0x48: {  	_ =	shalt  }
0x49: {  	_ =	shalt  }
0x4a: {  	_ =	shalt  }
0x4b: {  	_ =	shalt  }
0x4c: {  	_ =	shalt  }
0x4d: {  	_ =	shalt  }
0x4e: {  	_ =	shalt  }
0x4f: {  	_ =	shalt  }
0x50: {  	_ =	shalt  }
0x51: {  	_ =	shalt  }
0x52: {  	_ =	shalt  }
0x53: {  	_ =	shalt  }
0x54: {  	_ =	shalt  }
0x55: {  	_ =	shalt  }
0x56: {  	_ =	shalt  }
0x57: {  	_ =	shalt  }
0x58: {  	_ =	shalt  }
0x59: {  	_ =	shalt  }
0x5a: {  	_ =	shalt  }
0x5b: {  	_ =	shalt  }
0x5c: {  	_ =	shalt  }
0x5d: {  	_ =	shalt  }
0x5e: {  	_ =	shalt  }
0x5f: {  	_ =	shalt  }
0x60: {  	_ =	shalt  }
0x61: {  	_ =	shalt  }
0x62: {  	_ =	shalt  }
0x63: {  	_ =	shalt  }
0x64: {  	_ =	shalt  }
0x65: {  	_ =	shalt  }
0x66: {  	_ =	shalt  }
0x67: {  	_ =	shalt  }
0x68: {  	_ =	shalt  }
0x69: {  	_ =	shalt  }
0x6a: {  	_ =	shalt  }
0x6b: {  	_ =	shalt  }
0x6c: {  	_ =	shalt  }
0x6d: {  	_ =	shalt  }
0x6e: {  	_ =	shalt  }
0x6f: {  	_ =	shalt  }
0x70: {  	_ =	shalt  }
0x71: {  	_ =	shalt  }
0x72: {  	_ =	shalt  }
0x73: {  	_ =	shalt  }
0x74: {  	_ =	shalt  }
0x75: {  	_ =	shalt  }
0x76: {  	_ =	shalt  }
0x77: {  	_ =	shalt  }
0x78: {  	_ =	shalt  }
0x79: {  	_ =	shalt  }
0x7a: {  	_ =	shalt  }
0x7b: {  	_ =	shalt  }
0x7c: {  	_ =	shalt  }
0x7d: {  	_ =	shalt  }
0x7e: {  	_ =	shalt  }
0x7f: {  	_ =	shalt  }
0x80: {  	_ =	shalt  }
0x81: {  	_ =	shalt  }
0x82: {  	_ =	shalt  }
0x83: {  	_ =	shalt  }
0x84: {  	_ =	shalt  }
0x85: {  	_ =	shalt  }
0x86: {  	_ =	shalt  }
0x87: {  	_ =	shalt  }
.Lfunc_end0:
.L_simem_size_0:
called_computation.1_lowered:
.L_overlay_start_0:
0x88: {  	s2 =	sld [smem:$0x3FD9]  }
0x89: {  	s3 =	sld [smem:$0x3FFE];
	_ =	sdelay $0x1  }
0x8a: {  	s1 =	srdreg.scid  }
0x8b: {  	s0 =	sand.u32 $0x1, s1  }
0x8c: {  	s17 =	sshll.u32 s0, $0xA;
	s2 =	sadd.s32 s3, s2  }
0x8d: {  	s2 =	sadd.s32 s2, s17  }
0x8e: {  	[smem:$0x3FC2] =	sst s2  }
0x8f: {  	_ = 	snop  }
0x90: {  	s2 =	sld [smem:$0x3FD0];
	(tm) =	ssettm $0x1  }
0x91: {  	s18 =	sld [smem:$0x3FFB];
	_ =	sdelay $0x3  }
0x92: {  	_ =	strace s18  }
0x93: {  	s3 =	sld [smem:$0x3FFC];
	_ =	sdelay $0x3  }
0x94: {  	_ =	strace s3  }
0x95: {  	s3 =	sld [smem:$0x3FFD];
	_ =	sdelay $0x3  }
0x96: {  	_ =	strace s3  }
0x97: {  	_ =	strace $0x8FFFFFFF  }
0x98: {  	s19 =	sld [smem:$0x3FDB];
	_ =	sdelay $0x1  }
0x99: {  	s4 =	simm.s32 $_scs_section_size  }
0x9a: {  	s5 =	simm.s32 $_size__tile_overlayer_lowered;
	s6 =	simm.s32 $_tile_overlayer_lowered  }
0x9b: {  	s22 =	simm.s32 $0x1BFF;
	s21 =	sshll.u32 s6, $0x1;
	s3 =	sadd.s32 s4, s19  }
0x9c: {  	s7 =	simm.s32 $0x0;
	s20 =	sshll.u32 s5, $0x1;
	s5 =	sadd.s32 s21, s3  }
0x9d: {  	[timem:s7], [sflag:s22] =	dma.local [hbm:s5], s20  }
0x9e: {  	_ =	swait.ge [sflag:s22], s20  }
0x9f: {  	s4 =	ssub.s32 $0x0, s20;
	[sflag:s22] =	ssyncset.done $0x0  }
0xa0: {  	[sflag:s22] =	ssyncadd.s32 s4;
	_ =	sdelay $0x1  }
0xa1: {  	s23 =	simm.s32 $0x1B8B  }
0xa2: {  	_ =	swait.ge [sflag:s23], $0x1  }
0xa3: {  	[sflag:s23] =	ssyncset.done $0x0  }
0xa4: {  	s25 =	simm.s32 $0x1B8E;
	s24 =	sld [smem:$0x3FFE];
	[sflag:s23] =	ssyncadd.s32 $0xFFFFFFFF  }
0xa5: {  	s26 =	simm.s32 $execute0_lowered;
	[smem:$0x3FD2] =	sst s25  }
0xa6: {  	s5 =	sshll.u32 s26, $0x1;
	_ =	strace $0x80000049;
	[dreg:$0x1] =	wrdreg $0xFFFFFFFF  }
0xa7: {  	s28 =	simm.s32 $_size_execute0_lowered;
	s3 =	sadd.s32 s3, s5;
	[dreg:$0x0] =	wrdreg $0x0  }
0xa8: {  	s5 =	sshll.u32 s28, $0x1;
	[dreg:$0x2] =	wrdreg s3  }
0xa9: {  	[dreg:$0x3] =	wrdreg s5  }
0xaa: {  	[dreg:$0x4] =	wrdreg $0xC0  }
0xab: {  	_ =	task [dreg:s7], $0x5FFFF  }
0xac: {  	[dreg:$0x1] =	wrdreg $0xFFFFFFFF  }
0xad: {  	[dreg:$0x0] =	wrdreg $0x60  }
0xae: {  	[dreg:$0x2] =	wrdreg s2  }
0xaf: {  	[dreg:$0x3] =	wrdreg s24  }
0xb0: {  	[dreg:$0x4] =	wrdreg $0xC4000  }
0xb1: {  	[dreg:$0x5] =	wrdreg $0x9  }
0xb2: {  	_ =	task.clear_ibuf [dreg:s7], $0x6FFFF;
	_ =	strace $0x90000049  }
0xb3: {  	s29 =	simm.s32 $0x9;
	_ =	strace $0x8000004B  }
0xb4: {  	_ =	swait.ge [sflag:s29], $0x1  }
0xb5: {  	[sflag:s29] =	ssyncadd.s32 $0xFFFFFFFF  }
0xb6: {  	_ =	strace $0x9000004B  }
0xb7: {  	_ =	sfence  }
0xb8: {  	s30 =	sld [smem:$0x0];
	_ =	sdelay $0x2  }
0xb9: {  	s31 =	sshll.u32 s1, $0xD;
	s1 =	sshrl.u32 s1, $0x2  }
0xba: {  	s3 =	sand.u32 $0x4000, s31;
	s1 =	sadd.s32 s1, s30  }
0xbb: {  	s0 =	sor.u32 s3, s0;
	s1 =	sshll.u32 s1, $0x11  }
0xbc: {  	s0 =	sor.u32 s1, s0  }
0xbd: {  	s0 =	sadd.s32 $0x8F2B, s0  }
0xbe: {  	[sflag:s0] =	ssyncadd.remote.s32 $0x1  }
0xbf: {  	_ =	sfence.sel $0xFFFF  }
0xc0: {  	[dreg:$0x0] =	wrdreg $0xFFFFFFFF;
	(pc) =	sbr.abs _section_cstart, $3  }
0xc1: {  	[dreg:$0x1] =	wrdreg $0xFFFFFFFF  }
0xc2: {  	_ =	task.clear_ibuf [dreg:s7], $0x2FFFF;
	_ =	strace $0x9FFFFFFF  }
0xc3: {  	(tm) =	ssettm $0x7FFFFFFF  }
tec
execute0_lowered:
.L_overlay_start_1:
0x0: {  	(tag) =	ssettag $0x1  }
0x1: {  	s1 =	rddreg [dreg:$0x0]  }
0x2: {  	s0 =	rddreg [dreg:$0x1]  }
0x3: {  	s2 =	rddreg [dreg:$0x2];
	s4 =	simm.s32 $0x0;
	s13 =	stileid.u32  }
0x4: {  	s3 =	srdreg.scid;
	s31 =	simm.s32 $0x200;
	s7 =	smul.u32 $0x13C00, s13  }
0x5: {  	[smem:$0x7FF] =	sst s4;
	s3 =	sand.u32 $0x1, s3;
	s20 =	smul.u32 $0x4F000, s13  }
0x6: {  	s5 =	sadd.s32 $0x20400, s0;
	s22 =	smul.u32 $0x2760, s13;
	_ =	strace $0x8000004A  }
0x7: {  	s6 =	sshll.u32 s3, $0x4;
	s8 =	smul.u32 $0x13C000, s3;
	s29 =	ssub.s32 $0x2, s3  }
0x8: {  	s3 =	smul.u32 $0x27600, s3;
	s9 =	sor.u32 s13, s6;
	s6 =	sadd.s32 $0x2A200, s0  }
0x9: {  	s10 =	sshrl.u32 s7, $0x3;
	s11 =	sshrl.u32 s29, $0x1;
	s13 =	simm.s32 $0x11  }
0xa: {  	s9 =	smul.u32 $0x2760, s9;
	s10 =	sadd.s32 s10, s0;
	s7 =	sadd.s32 s7, s8  }
0xb: {  	s30 =	ssub.s32 s29, s11;
	s11 =	sshrl.u32 s20, $0x2;
	s3 =	sadd.s32 s22, s3  }
0xc: {  	s20 =	simm.s32 $0x6;
	s22 =	simm.s32 $0x300;
	s7 =	sshrl.u32 s7, $0x3  }
0xd: {  	s23 =	sadd.s32 s11, s2;
	s24 =	sadd.s32 $0x34000, s10;
	s29 =	sadd.s32 $0x1E0, s3  }
0xe: {  	s3 =	sadd.s32 $0xC0, s3;
	s10 =	simm.s32 $0x5;
	[dreg:$0xd] =	wrdreg s23  }
0xf: {  	s11 =	simm.s32 $0x4;
	s19 =	sadd.s32 $0x120, s9;
	[dreg:$0xe] =	wrdreg s24  }
0x10: {  	s12 =	sshrl.u32 s9, $0x3;
	s25 =	sadd.s32 $0x180, s9;
	[dreg:$0x6] =	wrdreg s19  }
0x11: {  	s0 =	sadd.s32 s7, s0;
	s26 =	sadd.s32 $0x240, s9;
	[dreg:$0xf] =	wrdreg s25  }
0x12: {  	s28 =	sadd.s32 $0x2A0, s9;
	s7 =	smax.u32 s30, $0x1;
	[dreg:$0x10] =	wrdreg s26  }
0x13: {  	s3 =	sshrl.u32 s3, $0x3;
	s9 =	simm.s32 $0xF;
	[dreg:$0x11] =	wrdreg s28  }
0x14: {  	s23 =	simm.s32 $0x6400;
	s24 =	simm.s32 $0x100;
	[dreg:$0x13] =	wrdreg s7  }
0x15: {  	s16 =	sadd.s32 $0xC, s12;
	s17 =	sadd.s32 s5, s12;
	[dreg:$0x14] =	wrdreg s3  }
0x16: {  	s14 =	sadd.s32 $0x18, s12;
	s15 =	sshrl.u32 s19, $0x3;
	[dreg:$0x4] =	wrdreg s17  }
0x17: {  	s12 =	sadd.s32 s6, s12;
	s0 =	sadd.s32 $0x5B800, s0;
	[dreg:$0x7] =	wrdreg s14  }
0x18: {  	s3 =	simm.s32 $0x60;
	s25 =	simm.s32 $0xC;
	[dreg:$0x8] =	wrdreg s15  }
0x19: {  	s26 =	simm.s32 $0x3;
	s19 =	simm.s32 $0x10;
	[dreg:$0xb] =	wrdreg s12  }
0x1a: {  	s18 =	sadd.s32 s5, s16;
	s14 =	sadd.s32 s5, s14;
	[dreg:$0x12] =	wrdreg s0  }
0x1b: {  	s21 =	sadd.s32 s5, s15;
	s8 =	sadd.s32 s6, s16;
	[dreg:$0x5] =	wrdreg s18  }
.Ltmp0:
0x1c: {  	s0 =	sshrl.u32 s29, $0x3;
	[dreg:$0x9] =	wrdreg s14;
	(pc) =	sbr.rel .LBB2_1-.Ltmp0, $4  }
0x1d: {  	s16 =	simm.s32 $0x100;
	s15 =	simm.s32 $0xD;
	[dreg:$0xa] =	wrdreg s21  }
0x1e: {  	s17 =	simm.s32 $0x3400;
	[dreg:$0xc] =	wrdreg s8;
	s30 =	sadd.s32 s0, s6  }
0x1f: {  	s0 =	sadd.s32 s0, s5;
	s21 =	simm.s32 $0x180;
	[dreg:$0x15] =	wrdreg s30  }
0x20: {  	s8 =	simm.s32 $0x400;
	[dreg:$0x16] =	wrdreg s0;
	s0 =	simm.s32 $0x0  }
.LBB2_4:
0x21: {  	_ =	swait.ge [sflag:s11], $0x3000  }
0x22: {  	[sflag:s11] =	ssyncset.done $0x0  }
0x23: {  	[sflag:s11] =	ssyncadd.s32 $0xFFFFD000  }
0x24: {  	_ =	swait.ge [sflag:s19], $0x60  }
0x25: {  	[sflag:s19] =	ssyncset.done $0x0  }
0x26: {  	s7 =	simm.s32 $0x380;
	[sflag:s19] =	ssyncadd.s32 $0xFFFFFFA0  }
0x27: {  	[spmem:s2] =	stream.indirect.scatter.add.f32 [tilespmem:s0], [sflag:$0x8], $0x80, s7, s3, $0xb8;
	v63 =	vld [tilespmem:$0x0]  }
0x28: {  	_ =	swait.ge [sflag:s20], $0x3000  }
0x29: {  	[sflag:s20] =	ssyncset.done $0x0  }
0x2a: {  	s13 =	simm.s32 $0x1;
	[sflag:s20] =	ssyncadd.s32 $0xFFFFD000  }
0x2b: {  	_ =	swait.ge [sflag:s13], $0x3000  }
0x2c: {  	[sflag:s13] =	ssyncset.done $0x0  }
0x2d: {  	[sflag:s13] =	ssyncadd.s32 $0xFFFFD000  }
0x2e: {  	_ =	swait.ge [sflag:s15], $0x60  }
0x2f: {  	[sflag:s15] =	ssyncset.done $0x0  }
0x30: {  	s8 =	simm.s32 $0x400;
	s14 =	simm.s32 $0x7;
	[sflag:s15] =	ssyncadd.s32 $0xFFFFFFA0  }
0x31: {  	[spmem:s2] =	stream.indirect.scatter.add.f32 [tilespmem:s8], [sflag:$0x5], $0x80, s31, s3, $0xb8;
	v63 =	vld [tilespmem:$0x0]  }
0x32: {  	_ =	swait.ge [sflag:s14], $0x3000  }
0x33: {  	[sflag:s14] =	ssyncset.done $0x0  }
0x34: {  	s16 =	simm.s32 $0x8;
	[sflag:s14] =	ssyncadd.s32 $0xFFFFD000  }
0x35: {  	_ =	swait.ge [sflag:s16], $0x3000  }
0x36: {  	[sflag:s16] =	ssyncset.done $0x0  }
0x37: {  	[sflag:s16] =	ssyncadd.s32 $0xFFFFD000  }
0x38: {  	_ =	swait.ge [sflag:s10], $0x3000  }
0x39: {  	[sflag:s10] =	ssyncset.done $0x0  }
0x3a: {  	[sflag:s10] =	ssyncadd.s32 $0xFFFFD000  }
0x3b: {  	[bflag:$0x0] =	sbarrier.arrive $0xFFFF  }
0x3c: {  	s18 =	rddreg [dreg:$0x12]  }
0x3d: {  	s28 =	rddreg [dreg:$0x18]  }
0x3e: {  	s13 =	simm.s32 $0x11;
	s12 =	rddreg [dreg:$0x19]  }
0x3f: {  	[hbm:s18], [sflag:s28] =	dma.local [spmem:s12], $0x2780  }
0x40: {  	_ =	swait.ge [sflag:s13], $0x2780  }
0x41: {  	s29 =	rddreg [dreg:$0x17]  }
0x42: {  	s30 =	rddreg [dreg:$0x13];
	s0 =	sadd.s32 $0x1, s29  }
0x43: {  	p0 =	sne.s32 s0, s30  }
.Ltmp1:
0x44: {  	_ = 	snop;
	(pc) =	sbr.rel @!p0 .LBB2_5-.Ltmp1, $3  }
0x45: {  	_ =	sdelay $0x1  }
0x46: {  	[sflag:s13] =	ssyncset.done $0x0  }
0x47: {  	s16 =	simm.s32 $0x100;
	[sflag:s13] =	ssyncadd.s32 $0xFFFFD880  }
.LBB2_1:
0x48: {  	[dreg:$0x17] =	wrdreg s0  }
0x49: {  	s7 =	rddreg [dreg:$0x4]  }
0x4a: {  	[tilespmem:s4], [sflag:$0x9] =	stream.linear.gather [hbm4b:s7+s4], $0x60, $0x38;
	v63 =	vld [tilespmem:$0x0]  }
0x4b: {  	s14 =	rddreg [dreg:$0x5];
	s12 =	simm.s32 $0x80  }
0x4c: {  	[tilespmem:s12], [sflag:$0xA] =	stream.linear.gather [hbm4b:s14+s4], $0x60, $0x38;
	v63 =	vld [tilespmem:$0x0]  }
0x4d: {  	s18 =	rddreg [dreg:$0x9]  }
0x4e: {  	[tilespmem:s16], [sflag:$0xB] =	stream.linear.gather [hbm4b:s18+s4], $0x60, $0x38;
	v63 =	vld [tilespmem:$0x0]  }
0x4f: {  	s29 =	rddreg [dreg:$0xa]  }
0x50: {  	[tilespmem:s21], [sflag:$0xC] =	stream.linear.gather [hbm4b:s29+s4], $0x60, $0x38;
	v63 =	vld [tilespmem:$0x0]  }
0x51: {  	s0 =	rddreg [dreg:$0xb]  }
0x52: {  	[tilespmem:s31], [sflag:$0xD] =	stream.linear.gather [hbm4b:s0+s4], $0x60, $0x38;
	v63 =	vld [tilespmem:$0x0]  }
0x53: {  	s14 =	rddreg [dreg:$0xc];
	s18 =	simm.s32 $0x9;
	s21 =	simm.s32 $0x280  }
0x54: {  	[tilespmem:s21], [sflag:$0xE] =	stream.linear.gather [hbm4b:s14+s4], $0x60, $0x38;
	v63 =	vld [tilespmem:$0x0]  }
0x55: {  	_ =	swait.ge [sflag:s18], $0x60  }
0x56: {  	[sflag:s18] =	ssyncset.done $0x0  }
0x57: {  	s29 =	simm.s32 $0xA;
	s0 =	stileid.u32;
	[sflag:s18] =	ssyncadd.s32 $0xFFFFFFA0  }
0x58: {  	[tilespmem:s8], [sflag:$0x1] =	stream.indirect.gather [hbm4b:s1+s3], $0x80, s4, s3, $0xb8;
	v63 =	vld [tilespmem:$0x0]  }
0x59: {  	s7 =	sshll.u32 s0, $0x6;
	_ =	swait.ge [sflag:s29], $0x60  }
0x5a: {  	s8 =	simm.s32 $0x3400;
	[sflag:s29] =	ssyncset.done $0x0;
	s14 =	rddreg [dreg:$0xd]  }
0x5b: {  	[sflag:s29] =	ssyncadd.s32 $0xFFFFFFA0;
	s18 =	sshrl.u32 s14, $0x3;
	s29 =	rddreg [dreg:$0xe]  }
0x5c: {  	[tilespmem:s8], [sflag:$0x2] =	stream.indirect.gather [hbm4b:s1+s3], $0x80, s12, s3, $0xb8;
	v63 =	vld [tilespmem:$0x0]  }
0x5d: {  	s12 =	sor.u32 $0x1C11, s7;
	[dreg:$0x19] =	wrdreg s18  }
0x5e: {  	[dreg:$0x18] =	wrdreg s12  }
0x5f: {  	[spmem:s18], [sflag:s12] =	dma.local [hbm:s29], $0x2780  }
0x60: {  	_ =	swait.ge [sflag:s13], $0x2780  }
0x61: {  	[sflag:s13] =	ssyncset.done $0x0  }
0x62: {  	[sflag:s13] =	ssyncadd.s32 $0xFFFFD880  }
0x63: {  	[bflag:$0x0] =	sbarrier.arrive $0xFFFF  }
0x64: {  	s18 =	rddreg [dreg:$0x16]  }
0x65: {  	s14 =	simm.s32 $0x9400;
	s28 =	rddreg [dreg:$0x15]  }
0x66: {  	s12 =	simm.s32 $0x0;
	s13 =	simm.s32 $0x180;
	s30 =	rddreg [dreg:$0x14]  }
.LBB2_2:
0x67: {  	s0 =	simm.s32 $0x1  }
0x68: {  	_ =	swait.ge [sflag:s0], $0x3000  }
0x69: {  	[sflag:s0] =	ssyncset.done $0x0  }
0x6a: {  	[sflag:s0] =	ssyncadd.s32 $0xFFFFD000  }
0x6b: {  	_ =	swait.ge [sflag:s15], $0x60  }
0x6c: {  	p0 =	seq.s32 s12, $0x0;
	[sflag:s15] =	ssyncset.done $0x0  }
0x6d: {  	s29 =	simm.s32 @!p0 $0x7;
	s0 =	simm.s32 $0x400;
	[sflag:s15] =	ssyncadd.s32 $0xFFFFFFA0  }
0x6e: {  	[spmem:s2] =	stream.indirect.scatter.add.f32 [tilespmem:s0], [sflag:$0x5], $0x80, s31, s3, $0xb8;
	v63 =	vld [tilespmem:$0x0]  }
0x6f: {  	_ =	swait.ge @!p0 [sflag:s29], $0x3000  }
0x70: {  	s31 =	smov.u32 s30;
	s7 =	rddreg [dreg:$0x7]  }
0x71: {  	[sflag:s29] =	ssyncset.done @!p0 $0x0;
	s31 =	smov.u32 @p0 s7  }
0x72: {  	[sflag:s29] =	ssyncadd.s32 @!p0 $0xFFFFD000;
	s7 =	simm.s32 $0xB;
	s29 =	sadd.s32 s6, s31  }
0x73: {  	[tilespmem:s22], [sflag:$0xF] =	stream.linear.gather [hbm4b:s29+s4], $0x60, $0x38;
	v63 =	vld [tilespmem:$0x0]  }
0x74: {  	_ =	swait.ge [sflag:s7], $0x60  }
0x75: {  	[sflag:s7] =	ssyncset.done $0x0  }
0x76: {  	s29 =	smov.u32 s12;
	[sflag:s7] =	ssyncadd.s32 $0xFFFFFFA0  }
0x77: {  	[tilespmem:s23], [sflag:$0x3] =	stream.indirect.gather [hbm4b:s1+s3], $0x80, s16, s3, $0xb8;
	v63 =	vld [tilespmem:$0x0]  }
0x78: {  	s29 =	simm.s32 @p0 $0x0;
	s16 =	rddreg [dreg:$0xf]  }
0x79: {  	s31 =	sadd.s32 s29, s16  }
0x7a: {  	s31 =	sshrl.u32 s31, $0x3  }
0x7b: {  	s16 =	simm.s32 $0x2;
	s7 =	sadd.s32 s5, s31  }
0x7c: {  	[tilespmem:s4], [sflag:$0x9] =	stream.linear.gather [hbm4b:s7+s4], $0x60, $0x38;
	v63 =	vld [tilespmem:$0x0]  }
0x7d: {  	_ =	swait.ge [sflag:s16], $0x3000  }
0x7e: {  	[sflag:s16] =	ssyncset.done $0x0  }
0x7f: {  	[sflag:s16] =	ssyncadd.s32 $0xFFFFD000;
	s16 =	simm.s32 $0xE  }
0x80: {  	_ =	swait.ge [sflag:s16], $0x60  }
0x81: {  	[sflag:s16] =	ssyncset.done $0x0  }
0x82: {  	s7 =	rddreg [dreg:$0x6];
	[sflag:s16] =	ssyncadd.s32 $0xFFFFFFA0;
	s16 =	simm.s32 @!p0 $0x8  }
0x83: {  	[spmem:s2] =	stream.indirect.scatter.add.f32 [tilespmem:s8], [sflag:$0x6], $0x80, s21, s3, $0xb8;
	v63 =	vld [tilespmem:$0x0]  }
0x84: {  	s7 =	sadd.s32 @!p0 s7, s29;
	_ =	swait.ge @!p0 [sflag:s16], $0x3000  }
0x85: {  	s7 =	sshrl.u32 @!p0 s7, $0x3;
	s21 =	rddreg [dreg:$0x8]  }
0x86: {  	[sflag:s16] =	ssyncset.done @!p0 $0x0;
	s7 =	smov.u32 @p0 s21  }
0x87: {  	[sflag:s16] =	ssyncadd.s32 @!p0 $0xFFFFD000;
	s21 =	simm.s32 $0x380;
	s7 =	sadd.s32 s6, s7  }
0x88: {  	[tilespmem:s21], [sflag:$0x10] =	stream.linear.gather [hbm4b:s7+s4], $0x60, $0x38;
	v63 =	vld [tilespmem:$0x0]  }
0x89: {  	_ =	swait.ge [sflag:s25], $0x60  }
0x8a: {  	[sflag:s25] =	ssyncset.done $0x0  }
0x8b: {  	p0 =	seq.s32 s12, $0x2580;
	[sflag:s25] =	ssyncadd.s32 $0xFFFFFFA0  }
0x8c: {  	[tilespmem:s14], [sflag:$0x4] =	stream.indirect.gather [hbm4b:s1+s3], $0x80, s13, s3, $0xb8;
	v63 =	vld [tilespmem:$0x0]  }
0x8d: {  	s16 =	simm.s32 @!p0 $0x80;
	s7 =	simm.s32 @!p0 $0x0  }
0x8e: {  	[tilespmem:s16], [sflag:$0xA] =	stream.linear.gather @!p0 [hbm4b:s18+s7], $0x60, $0x38;
	v63 =	vld [tilespmem:$0x0]  }
0x8f: {  	_ =	swait.ge [sflag:s26], $0x3000  }
0x90: {  	[sflag:s26] =	ssyncset.done $0x0  }
0x91: {  	[sflag:s26] =	ssyncadd.s32 $0xFFFFD000  }
0x92: {  	_ =	swait.ge [sflag:s9], $0x60  }
0x93: {  	[sflag:s9] =	ssyncset.done $0x0  }
0x94: {  	[sflag:s9] =	ssyncadd.s32 $0xFFFFFFA0  }
0x95: {  	[spmem:s2] =	stream.indirect.scatter.add.f32 [tilespmem:s23], [sflag:$0x7], $0x80, s22, s3, $0xb8;
	v63 =	vld [tilespmem:$0x0]  }
0x96: {  	_ =	swait.ge [sflag:s10], $0x3000  }
0x97: {  	s21 =	simm.s32 $0x9;
	[sflag:s10] =	ssyncset.done $0x0  }
0x98: {  	s16 =	sadd.s32 s6, s31;
	s31 =	simm.s32 $0x200;
	[sflag:s10] =	ssyncadd.s32 $0xFFFFD000  }
0x99: {  	[tilespmem:s31], [sflag:$0xD] =	stream.linear.gather [hbm4b:s16+s4], $0x60, $0x38;
	v63 =	vld [tilespmem:$0x0]  }
.Ltmp2:
0x9a: {  	_ =	swait.ge [sflag:s21], $0x60;
	(pc) =	sbr.rel @p0 .LBB2_4-.Ltmp2, $4  }
0x9b: {  	[sflag:s21] =	ssyncset.done $0x0  }
0x9c: {  	[sflag:s21] =	ssyncadd.s32 $0xFFFFFFA0  }
0x9d: {  	[tilespmem:s0], [sflag:$0x1] =	stream.indirect.gather [hbm4b:s1+s3], $0x80, s4, s3, $0xb8;
	v63 =	vld [tilespmem:$0x0]  }
0x9e: {  	s8 =	simm.s32 $0x280;
	s21 =	simm.s32 $0x180;
	s0 =	simm.s32 $0x9400  }
0x9f: {  	s7 =	rddreg [dreg:$0x10]  }
0xa0: {  	s7 =	sadd.s32 s29, s7  }
0xa1: {  	s7 =	sshrl.u32 s7, $0x3  }
0xa2: {  	s7 =	sadd.s32 s5, s7  }
0xa3: {  	[tilespmem:s24], [sflag:$0xB] =	stream.linear.gather [hbm4b:s7+s4], $0x60, $0x38;
	v63 =	vld [tilespmem:$0x0]  }
0xa4: {  	_ =	swait.ge [sflag:s11], $0x3000  }
0xa5: {  	[sflag:s11] =	ssyncset.done $0x0  }
0xa6: {  	[sflag:s11] =	ssyncadd.s32 $0xFFFFD000  }
0xa7: {  	_ =	swait.ge [sflag:s19], $0x60  }
0xa8: {  	[sflag:s19] =	ssyncset.done $0x0  }
0xa9: {  	s16 =	simm.s32 $0x380;
	[sflag:s19] =	ssyncadd.s32 $0xFFFFFFA0  }
0xaa: {  	[spmem:s2] =	stream.indirect.scatter.add.f32 [tilespmem:s0], [sflag:$0x8], $0x80, s16, s3, $0xb8;
	v63 =	vld [tilespmem:$0x0]  }
0xab: {  	_ =	swait.ge [sflag:s20], $0x3000  }
0xac: {  	[sflag:s20] =	ssyncset.done $0x0  }
0xad: {  	s13 =	simm.s32 $0xA;
	[sflag:s20] =	ssyncadd.s32 $0xFFFFD000  }
0xae: {  	[tilespmem:s8], [sflag:$0xE] =	stream.linear.gather [hbm4b:s28+s4], $0x60, $0x38;
	v63 =	vld [tilespmem:$0x0]  }
0xaf: {  	_ =	swait.ge [sflag:s13], $0x60  }
0xb0: {  	s14 =	simm.s32 $0x80;
	[sflag:s13] =	ssyncset.done $0x0  }
0xb1: {  	s30 =	sadd.s32 $0x30, s30;
	s16 =	rddreg [dreg:$0x11];
	[sflag:s13] =	ssyncadd.s32 $0xFFFFFFA0  }
0xb2: {  	[tilespmem:s17], [sflag:$0x2] =	stream.indirect.gather [hbm4b:s1+s3], $0x80, s14, s3, $0xb8;
	v63 =	vld [tilespmem:$0x0]  }
.Ltmp3:
0xb3: {  	s12 =	sadd.s32 $0x180, s12;
	s7 =	sadd.s32 s29, s16;
	(pc) =	sbr.rel .LBB2_2-.Ltmp3, $4  }
0xb4: {  	s18 =	sadd.s32 $0x30, s18;
	s28 =	sadd.s32 $0x30, s28;
	s7 =	sshrl.u32 s7, $0x3  }
0xb5: {  	s8 =	simm.s32 $0x3400;
	s16 =	simm.s32 $0x100;
	s7 =	sadd.s32 s5, s7  }
0xb6: {  	[tilespmem:s21], [sflag:$0xC] =	stream.linear.gather [hbm4b:s7+s4], $0x60, $0x38;
	v63 =	vld [tilespmem:$0x0]  }
0xb7: {  	s13 =	simm.s32 $0x180;
	s14 =	simm.s32 $0x9400;
	s21 =	simm.s32 $0x280  }
.LBB2_5:
0xb8: {  	_ =	sfence.sel $0x180000  }
0xb9: {  	[bflag:$0x0] =	sbarrier.arrive $0xFFFF  }
0xba: {  	_ =	strace $0x9000004A  }
0xbb: {  	s0 =	stileid.u32;
	[bflag:$0x2] =	sbarrier.arrive $0xFFFF  }
0xbc: {  	p0 =	sne.s32 s0, $0x0;
	s0 =	rddreg [dreg:$0x3]  }
0xbd: {  	s0 =	sadd.s32 @!p0 $0x100000, s0  }
0xbe: {  	[sflag:s0] =	ssyncadd.tile.s32 @!p0 $0x1;
	_ =	shalt  }
.Lfunc_end2:
_tile_overlayer_lowered:
.L_overlay_start_2:
0xbf: {  	(tag) =	ssettag $0x2  }
0xc0: {  	s0 =	rddreg [dreg:$0x0];
	s2 =	stileid.u32  }
0xc1: {  	s1 =	rddreg [dreg:$0x1];
	p0 =	sne.s32 s2, $0x0  }
0xc2: {  	s3 =	rddreg [dreg:$0x2];
	[bflag:$0x3] =	sbarrier.arrive $0xFFFF;
	s2 =	simm.s32 @!p0 $0x1C11  }
0xc3: {  	[timem:s3], [sflag:s2] =	dma.local @!p0 [hbm:s0], s1  }
0xc4: {  	s0 =	simm.s32 @!p0 $0x11  }
0xc5: {  	_ =	swait.ge @!p0 [sflag:s0], s1  }
0xc6: {  	s1 =	ssub.s32 @!p0 $0x0, s1;
	[sflag:s0] =	ssyncset.done @!p0 $0x0  }
0xc7: {  	[sflag:s0] =	ssyncadd.s32 @!p0 s1  }
0xc8: {  	[bflag:$0x3] =	sbarrier.arrive $0xFFFF  }
0xc9: {  	_ =	shalt  }

// kernel: kernel.14.cloned.1.call-start
scs
__scs_entry_jumppad:
0x0: {  	(pc) =	sbr.rel $0x88, $3  }
0x1: {  	(tag) =	ssettag $0x0;
	lr =	simm.s32 $0x1  }
0x2: {  	[smem:$0x3F9B] =	sst lr;
	_ =	strace $0xD0000000  }
0x3: {  	_ = 	snop  }
0x4: {  	_ = 	snop  }
0x5: {  	_ = 	snop  }
0x6: {  	_ = 	snop  }
0x7: {  	_ = 	snop  }
__scs_overlays_trampoline_lowered:
0x8: {  	[smem:$0x3FAA] =	sst s0  }
0x9: {  	[smem:$0x3FAB] =	sst s1  }
0xa: {  	[smem:$0x3FAC] =	sst s2  }
0xb: {  	[smem:$0x3FAD] =	sst s3  }
0xc: {  	[smem:$0x3FAE] =	sst s4  }
0xd: {  	[smem:$0x3FAF] =	sst s5  }
0xe: {  	[smem:$0x3FB0] =	sst s6  }
0xf: {  	[smem:$0x3FB1] =	sst s7  }
0x10: {  	[smem:$0x3FB2] =	sst s8  }
0x11: {  	[smem:$0x3FB3] =	sst s9;
	s0 =	simm.s32 @!p0 $0x0  }
0x12: {  	s1 =	sld [smem:$0x3F99];
	s0 =	simm.s32 @p0 $0x1  }
0x13: {  	[smem:$0x3FB4] =	sst s0;
	s0 =	simm.s32 @!p1 $0x0  }
0x14: {  	s2 =	sld [smem:$0x3F98];
	s0 =	simm.s32 @p1 $0x1  }
0x15: {  	[smem:$0x3FB5] =	sst s0;
	s0 =	simm.s32 @!p2 $0x0  }
0x16: {  	s3 =	sld [smem:$0x3FDB];
	s0 =	simm.s32 @p2 $0x1  }
0x17: {  	s4 =	simm.s32 $0x1BF5;
	[smem:$0x3FB7] =	sst s0  }
0x18: {  	s0 =	sld [smem:$0x3F9A];
	_ =	swait.ge [sflag:s4], $0x0  }
0x19: {  	s7 =	sld [smem:$0x3F9B]  }
0x1a: {  	s8 =	sadd.s32 $0xFFFFE003, lr  }
0x1b: {  	s9 =	sadd.s32 $0xFFFFFEF7, lr;
	s5 =	simm.s32 $0xFFFFFFFF;
	p2 =	slt.u32 s8, $0xFFFFF086  }
0x1c: {  	p1 =	slt.u32 s9, $0xF7A;
	s5 =	simm.s32 @!p2 $0x0  }
0x1d: {  	s5 =	simm.s32 @p1 $0x1;
	p0 =	seq.s32 s7, s2  }
0x1e: {  	s7 =	smul.u32 @!p0 $0xF7A, s2;
	p2 =	seq.s32 @!p0 s5, $0x0  }
0x1f: {  	s9 =	smul.u32 $0xF7A, s1;
	s8 =	simm.s32 @!p0 $0x1BF5;
	p2 =	por !p2, p0  }
0x20: {  	[sflag:s8] =	ssyncset.s32 @!p0 $0xFFFFF086;
	s6 =	sadd.s32 @!p0 s3, s7;
	s7 =	simm.s32 @!p0 $0x108  }
0x21: {  	s3 =	sadd.s32 s3, s9;
	s6 =	sadd.s32 @!p0 $0x88, s6;
	s7 =	simm.s32 @p2 $0x1082  }
0x22: {  	[simem:s7], [sflag:s8] =	dma.local @!p0 [hbm:s6], $0xF7A  }
0x23: {  	s9 =	sor.u32 $0xD0000000, s2;
	s6 =	simm.s32 $0x108;
	_ =	swait.ge @!p0 [sflag:s8], $0x0  }
0x24: {  	s3 =	sadd.s32 $0x88, s3;
	s6 =	simm.s32 @!p1 $0x1082;
	[sflag:s4] =	ssyncset.s32 $0xFFFFF086  }
0x25: {  	[simem:s6], [sflag:s4] =	dma.local [hbm:s3], $0xF7A  }
0x26: {  	[smem:$0x3F9B] =	sst s1;
	(tag) =	ssettag s2;
	_ =	strace s9  }
0x27: {  	s1 =	sld [smem:$0x3FAB]  }
0x28: {  	s2 =	sld [smem:$0x3FAC]  }
0x29: {  	s4 =	sld [smem:$0x3FAE]  }
0x2a: {  	p0 =	seq.s32 s5, $0x0;
	s5 =	sld [smem:$0x3FAF]  }
0x2b: {  	s6 =	sld [smem:$0x3FB0]  }
0x2c: {  	s7 =	sld [smem:$0x3FB1]  }
0x2d: {  	s3 =	simm.s32 $0x108;
	s8 =	sld [smem:$0x3FB2]  }
0x2e: {  	s3 =	simm.s32 @!p0 $0x1082;
	s9 =	sld [smem:$0x3FB3]  }
0x2f: {  	lr =	sadd.s32 s0, s3;
	s0 =	sld [smem:$0x3FAA]  }
0x30: {  	s3 =	sld [smem:$0x3FAD]  }
0x31: {  	[smem:$0x3FB6] =	sst s10  }
0x32: {  	s10 =	sld [smem:$0x3FB4];
	_ =	sdelay $0x3  }
0x33: {  	p0 =	seq.s32 s10, $0x1;
	s10 =	sld [smem:$0x3FB6];
	_ =	sdelay $0x3  }
0x34: {  	[smem:$0x3FB6] =	sst s10  }
0x35: {  	s10 =	sld [smem:$0x3FB5];
	_ =	sdelay $0x3  }
0x36: {  	p1 =	seq.s32 s10, $0x1;
	s10 =	sld [smem:$0x3FB6];
	_ =	sdelay $0x3  }
0x37: {  	[smem:$0x3FB6] =	sst s10  }
0x38: {  	s10 =	sld [smem:$0x3FB7]  }
0x39: {  	_ = 	snop;
	(pc) =	sbr.ind lr, $3  }
0x3a: {  	_ = 	snop  }
0x3b: {  	_ = 	snop  }
0x3c: {  	p2 =	seq.s32 s10, $0x1;
	s10 =	sld [smem:$0x3FB6]  }
0x3d: {  	_ =	shalt  }
0x3e: {  	_ =	shalt  }
0x3f: {  	_ =	shalt  }
0x40: {  	_ =	shalt  }
0x41: {  	_ =	shalt  }
0x42: {  	_ =	shalt  }
0x43: {  	_ =	shalt  }
0x44: {  	_ =	shalt  }
0x45: {  	_ =	shalt  }
0x46: {  	_ =	shalt  }
0x47: {  	_ =	shalt  }
0x48: {  	_ =	shalt  }
0x49: {  	_ =	shalt  }
0x4a: {  	_ =	shalt  }
0x4b: {  	_ =	shalt  }
0x4c: {  	_ =	shalt  }
0x4d: {  	_ =	shalt  }
0x4e: {  	_ =	shalt  }
0x4f: {  	_ =	shalt  }
0x50: {  	_ =	shalt  }
0x51: {  	_ =	shalt  }
0x52: {  	_ =	shalt  }
0x53: {  	_ =	shalt  }
0x54: {  	_ =	shalt  }
0x55: {  	_ =	shalt  }
0x56: {  	_ =	shalt  }
0x57: {  	_ =	shalt  }
0x58: {  	_ =	shalt  }
0x59: {  	_ =	shalt  }
0x5a: {  	_ =	shalt  }
0x5b: {  	_ =	shalt  }
0x5c: {  	_ =	shalt  }
0x5d: {  	_ =	shalt  }
0x5e: {  	_ =	shalt  }
0x5f: {  	_ =	shalt  }
0x60: {  	_ =	shalt  }
0x61: {  	_ =	shalt  }
0x62: {  	_ =	shalt  }
0x63: {  	_ =	shalt  }
0x64: {  	_ =	shalt  }
0x65: {  	_ =	shalt  }
0x66: {  	_ =	shalt  }
0x67: {  	_ =	shalt  }
0x68: {  	_ =	shalt  }
0x69: {  	_ =	shalt  }
0x6a: {  	_ =	shalt  }
0x6b: {  	_ =	shalt  }
0x6c: {  	_ =	shalt  }
0x6d: {  	_ =	shalt  }
0x6e: {  	_ =	shalt  }
0x6f: {  	_ =	shalt  }
0x70: {  	_ =	shalt  }
0x71: {  	_ =	shalt  }
0x72: {  	_ =	shalt  }
0x73: {  	_ =	shalt  }
0x74: {  	_ =	shalt  }
0x75: {  	_ =	shalt  }
0x76: {  	_ =	shalt  }
0x77: {  	_ =	shalt  }
0x78: {  	_ =	shalt  }
0x79: {  	_ =	shalt  }
0x7a: {  	_ =	shalt  }
0x7b: {  	_ =	shalt  }
0x7c: {  	_ =	shalt  }
0x7d: {  	_ =	shalt  }
0x7e: {  	_ =	shalt  }
0x7f: {  	_ =	shalt  }
0x80: {  	_ =	shalt  }
0x81: {  	_ =	shalt  }
0x82: {  	_ =	shalt  }
0x83: {  	_ =	shalt  }
0x84: {  	_ =	shalt  }
0x85: {  	_ =	shalt  }
0x86: {  	_ =	shalt  }
0x87: {  	_ =	shalt  }
.Lfunc_end0:
.L_simem_size_0:
called_computation.2_lowered:
.L_overlay_start_0:
0x88: {  	s2 =	sld [smem:$0x3FD9]  }
0x89: {  	s3 =	sld [smem:$0x3FFE];
	_ =	sdelay $0x1  }
0x8a: {  	s1 =	srdreg.scid  }
0x8b: {  	s0 =	sand.u32 $0x1, s1  }
0x8c: {  	s17 =	sshll.u32 s0, $0xA;
	s2 =	sadd.s32 s3, s2  }
0x8d: {  	s2 =	sadd.s32 s2, s17  }
0x8e: {  	[smem:$0x3FC2] =	sst s2  }
0x8f: {  	_ = 	snop  }
0x90: {  	s2 =	sld [smem:$0x3FD0];
	(tm) =	ssettm $0x1  }
0x91: {  	s18 =	sld [smem:$0x3FFB];
	_ =	sdelay $0x3  }
0x92: {  	_ =	strace s18  }
0x93: {  	s3 =	sld [smem:$0x3FFC];
	_ =	sdelay $0x3  }
0x94: {  	_ =	strace s3  }
0x95: {  	s3 =	sld [smem:$0x3FFD];
	_ =	sdelay $0x3  }
0x96: {  	_ =	strace s3  }
0x97: {  	_ =	strace $0x8FFFFFFF  }
0x98: {  	s19 =	sld [smem:$0x3FDB];
	_ =	sdelay $0x1  }
0x99: {  	s4 =	simm.s32 $_scs_section_size  }
0x9a: {  	s5 =	simm.s32 $_size__tile_overlayer_lowered;
	s6 =	simm.s32 $_tile_overlayer_lowered  }
0x9b: {  	s22 =	simm.s32 $0x1BFF;
	s21 =	sshll.u32 s6, $0x1;
	s3 =	sadd.s32 s4, s19  }
0x9c: {  	s7 =	simm.s32 $0x0;
	s20 =	sshll.u32 s5, $0x1;
	s5 =	sadd.s32 s21, s3  }
0x9d: {  	[timem:s7], [sflag:s22] =	dma.local [hbm:s5], s20  }
0x9e: {  	_ =	swait.ge [sflag:s22], s20  }
0x9f: {  	s4 =	ssub.s32 $0x0, s20;
	[sflag:s22] =	ssyncset.done $0x0  }
0xa0: {  	[sflag:s22] =	ssyncadd.s32 s4;
	_ =	sdelay $0x1  }
0xa1: {  	s23 =	simm.s32 $0x1B8B  }
0xa2: {  	_ =	swait.ge [sflag:s23], $0x1  }
0xa3: {  	[sflag:s23] =	ssyncset.done $0x0  }
0xa4: {  	s25 =	simm.s32 $0x1B8E;
	s24 =	sld [smem:$0x3FFE];
	[sflag:s23] =	ssyncadd.s32 $0xFFFFFFFF  }
0xa5: {  	s26 =	simm.s32 $execute0_lowered;
	[smem:$0x3FD2] =	sst s25  }
0xa6: {  	s5 =	sshll.u32 s26, $0x1;
	_ =	strace $0x8000004C;
	[dreg:$0x1] =	wrdreg $0xFFFFFFFF  }
0xa7: {  	s28 =	simm.s32 $_size_execute0_lowered;
	s3 =	sadd.s32 s3, s5;
	[dreg:$0x0] =	wrdreg $0x0  }
0xa8: {  	s5 =	sshll.u32 s28, $0x1;
	[dreg:$0x2] =	wrdreg s3  }
0xa9: {  	[dreg:$0x3] =	wrdreg s5  }
0xaa: {  	[dreg:$0x4] =	wrdreg $0xC0  }
0xab: {  	_ =	task [dreg:s7], $0x5FFFF  }
0xac: {  	[dreg:$0x1] =	wrdreg $0xFFFFFFFF  }
0xad: {  	[dreg:$0x0] =	wrdreg $0x60  }
0xae: {  	[dreg:$0x2] =	wrdreg s2  }
0xaf: {  	[dreg:$0x3] =	wrdreg s24  }
0xb0: {  	[dreg:$0x4] =	wrdreg $0xC4000  }
0xb1: {  	[dreg:$0x5] =	wrdreg $0x9  }
0xb2: {  	_ =	task.clear_ibuf [dreg:s7], $0x6FFFF;
	_ =	strace $0x9000004C  }
0xb3: {  	s29 =	simm.s32 $0x9;
	_ =	strace $0x8000004E  }
0xb4: {  	_ =	swait.ge [sflag:s29], $0x1  }
0xb5: {  	[sflag:s29] =	ssyncadd.s32 $0xFFFFFFFF  }
0xb6: {  	_ =	strace $0x9000004E  }
0xb7: {  	_ =	sfence  }
0xb8: {  	s30 =	sld [smem:$0x0];
	_ =	sdelay $0x2  }
0xb9: {  	s31 =	sshll.u32 s1, $0xD;
	s1 =	sshrl.u32 s1, $0x2  }
0xba: {  	s3 =	sand.u32 $0x4000, s31;
	s1 =	sadd.s32 s1, s30  }
0xbb: {  	s0 =	sor.u32 s3, s0;
	s1 =	sshll.u32 s1, $0x11  }
0xbc: {  	s0 =	sor.u32 s1, s0  }
0xbd: {  	s0 =	sadd.s32 $0x8F2B, s0  }
0xbe: {  	[sflag:s0] =	ssyncadd.remote.s32 $0x1  }
0xbf: {  	_ =	sfence.sel $0xFFFF  }
0xc0: {  	[dreg:$0x0] =	wrdreg $0xFFFFFFFF;
	(pc) =	sbr.abs _section_cstart, $3  }
0xc1: {  	[dreg:$0x1] =	wrdreg $0xFFFFFFFF  }
0xc2: {  	_ =	task.clear_ibuf [dreg:s7], $0x2FFFF;
	_ =	strace $0x9FFFFFFF  }
0xc3: {  	(tm) =	ssettm $0x7FFFFFFF  }
tec
execute0_lowered:
.L_overlay_start_1:
0x0: {  	(tag) =	ssettag $0x1  }
0x1: {  	s1 =	rddreg [dreg:$0x0]  }
0x2: {  	s0 =	rddreg [dreg:$0x1]  }
0x3: {  	s2 =	rddreg [dreg:$0x2];
	s4 =	simm.s32 $0x0;
	s13 =	stileid.u32  }
0x4: {  	s3 =	srdreg.scid;
	s31 =	simm.s32 $0x200;
	s7 =	smul.u32 $0x13C00, s13  }
0x5: {  	[smem:$0x7FF] =	sst s4;
	s3 =	sand.u32 $0x1, s3;
	s20 =	smul.u32 $0x4F000, s13  }
0x6: {  	s5 =	sadd.s32 $0x20400, s0;
	s22 =	smul.u32 $0x2760, s13;
	_ =	strace $0x8000004D  }
0x7: {  	s6 =	sshll.u32 s3, $0x4;
	s8 =	smul.u32 $0x13C000, s3;
	s29 =	ssub.s32 $0x2, s3  }
0x8: {  	s3 =	smul.u32 $0x27600, s3;
	s9 =	sor.u32 s13, s6;
	s6 =	sadd.s32 $0x2A200, s0  }
0x9: {  	s10 =	sshrl.u32 s7, $0x3;
	s11 =	sshrl.u32 s29, $0x1;
	s13 =	simm.s32 $0x11  }
0xa: {  	s9 =	smul.u32 $0x2760, s9;
	s10 =	sadd.s32 s10, s0;
	s7 =	sadd.s32 s7, s8  }
0xb: {  	s30 =	ssub.s32 s29, s11;
	s11 =	sshrl.u32 s20, $0x2;
	s3 =	sadd.s32 s22, s3  }
0xc: {  	s20 =	simm.s32 $0x6;
	s22 =	simm.s32 $0x300;
	s7 =	sshrl.u32 s7, $0x3  }
0xd: {  	s23 =	sadd.s32 s11, s2;
	s24 =	sadd.s32 $0x34000, s10;
	s29 =	sadd.s32 $0x1E0, s3  }
0xe: {  	s3 =	sadd.s32 $0xC0, s3;
	s10 =	simm.s32 $0x5;
	[dreg:$0xd] =	wrdreg s23  }
0xf: {  	s11 =	simm.s32 $0x4;
	s19 =	sadd.s32 $0x120, s9;
	[dreg:$0xe] =	wrdreg s24  }
0x10: {  	s12 =	sshrl.u32 s9, $0x3;
	s25 =	sadd.s32 $0x180, s9;
	[dreg:$0x6] =	wrdreg s19  }
0x11: {  	s0 =	sadd.s32 s7, s0;
	s26 =	sadd.s32 $0x240, s9;
	[dreg:$0xf] =	wrdreg s25  }
0x12: {  	s28 =	sadd.s32 $0x2A0, s9;
	s7 =	smax.u32 s30, $0x1;
	[dreg:$0x10] =	wrdreg s26  }
0x13: {  	s3 =	sshrl.u32 s3, $0x3;
	s9 =	simm.s32 $0xF;
	[dreg:$0x11] =	wrdreg s28  }
0x14: {  	s23 =	simm.s32 $0x6400;
	s24 =	simm.s32 $0x100;
	[dreg:$0x13] =	wrdreg s7  }
0x15: {  	s16 =	sadd.s32 $0xC, s12;
	s17 =	sadd.s32 s5, s12;
	[dreg:$0x14] =	wrdreg s3  }
0x16: {  	s14 =	sadd.s32 $0x18, s12;
	s15 =	sshrl.u32 s19, $0x3;
	[dreg:$0x4] =	wrdreg s17  }
0x17: {  	s12 =	sadd.s32 s6, s12;
	s0 =	sadd.s32 $0x5B800, s0;
	[dreg:$0x7] =	wrdreg s14  }
0x18: {  	s3 =	simm.s32 $0x60;
	s25 =	simm.s32 $0xC;
	[dreg:$0x8] =	wrdreg s15  }
0x19: {  	s26 =	simm.s32 $0x3;
	s19 =	simm.s32 $0x10;
	[dreg:$0xb] =	wrdreg s12  }
0x1a: {  	s18 =	sadd.s32 s5, s16;
	s14 =	sadd.s32 s5, s14;
	[dreg:$0x12] =	wrdreg s0  }
0x1b: {  	s21 =	sadd.s32 s5, s15;
	s8 =	sadd.s32 s6, s16;
	[dreg:$0x5] =	wrdreg s18  }
.Ltmp0:
0x1c: {  	s0 =	sshrl.u32 s29, $0x3;
	[dreg:$0x9] =	wrdreg s14;
	(pc) =	sbr.rel .LBB2_1-.Ltmp0, $4  }
0x1d: {  	s16 =	simm.s32 $0x100;
	s15 =	simm.s32 $0xD;
	[dreg:$0xa] =	wrdreg s21  }
0x1e: {  	s17 =	simm.s32 $0x3400;
	[dreg:$0xc] =	wrdreg s8;
	s30 =	sadd.s32 s0, s6  }
0x1f: {  	s0 =	sadd.s32 s0, s5;
	s21 =	simm.s32 $0x180;
	[dreg:$0x15] =	wrdreg s30  }
0x20: {  	s8 =	simm.s32 $0x400;
	[dreg:$0x16] =	wrdreg s0;
	s0 =	simm.s32 $0x0  }
.LBB2_4:
0x21: {  	_ =	swait.ge [sflag:s11], $0x3000  }
0x22: {  	[sflag:s11] =	ssyncset.done $0x0  }
0x23: {  	[sflag:s11] =	ssyncadd.s32 $0xFFFFD000  }
0x24: {  	_ =	swait.ge [sflag:s19], $0x60  }
0x25: {  	[sflag:s19] =	ssyncset.done $0x0  }
0x26: {  	s7 =	simm.s32 $0x380;
	[sflag:s19] =	ssyncadd.s32 $0xFFFFFFA0  }
0x27: {  	[spmem:s2] =	stream.indirect.scatter.add.f32 [tilespmem:s0], [sflag:$0x8], $0x80, s7, s3, $0xb8;
	v63 =	vld [tilespmem:$0x0]  }
0x28: {  	_ =	swait.ge [sflag:s20], $0x3000  }
0x29: {  	[sflag:s20] =	ssyncset.done $0x0  }
0x2a: {  	s13 =	simm.s32 $0x1;
	[sflag:s20] =	ssyncadd.s32 $0xFFFFD000  }
0x2b: {  	_ =	swait.ge [sflag:s13], $0x3000  }
0x2c: {  	[sflag:s13] =	ssyncset.done $0x0  }
0x2d: {  	[sflag:s13] =	ssyncadd.s32 $0xFFFFD000  }
0x2e: {  	_ =	swait.ge [sflag:s15], $0x60  }
0x2f: {  	[sflag:s15] =	ssyncset.done $0x0  }
0x30: {  	s8 =	simm.s32 $0x400;
	s14 =	simm.s32 $0x7;
	[sflag:s15] =	ssyncadd.s32 $0xFFFFFFA0  }
0x31: {  	[spmem:s2] =	stream.indirect.scatter.add.f32 [tilespmem:s8], [sflag:$0x5], $0x80, s31, s3, $0xb8;
	v63 =	vld [tilespmem:$0x0]  }
0x32: {  	_ =	swait.ge [sflag:s14], $0x3000  }
0x33: {  	[sflag:s14] =	ssyncset.done $0x0  }
0x34: {  	s16 =	simm.s32 $0x8;
	[sflag:s14] =	ssyncadd.s32 $0xFFFFD000  }
0x35: {  	_ =	swait.ge [sflag:s16], $0x3000  }
0x36: {  	[sflag:s16] =	ssyncset.done $0x0  }
0x37: {  	[sflag:s16] =	ssyncadd.s32 $0xFFFFD000  }
0x38: {  	_ =	swait.ge [sflag:s10], $0x3000  }
0x39: {  	[sflag:s10] =	ssyncset.done $0x0  }
0x3a: {  	[sflag:s10] =	ssyncadd.s32 $0xFFFFD000  }
0x3b: {  	[bflag:$0x0] =	sbarrier.arrive $0xFFFF  }
0x3c: {  	s18 =	rddreg [dreg:$0x12]  }
0x3d: {  	s28 =	rddreg [dreg:$0x18]  }
0x3e: {  	s13 =	simm.s32 $0x11;
	s12 =	rddreg [dreg:$0x19]  }
0x3f: {  	[hbm:s18], [sflag:s28] =	dma.local [spmem:s12], $0x2780  }
0x40: {  	_ =	swait.ge [sflag:s13], $0x2780  }
0x41: {  	s29 =	rddreg [dreg:$0x17]  }
0x42: {  	s30 =	rddreg [dreg:$0x13];
	s0 =	sadd.s32 $0x1, s29  }
0x43: {  	p0 =	sne.s32 s0, s30  }
.Ltmp1:
0x44: {  	_ = 	snop;
	(pc) =	sbr.rel @!p0 .LBB2_5-.Ltmp1, $3  }
0x45: {  	_ =	sdelay $0x1  }
0x46: {  	[sflag:s13] =	ssyncset.done $0x0  }
0x47: {  	s16 =	simm.s32 $0x100;
	[sflag:s13] =	ssyncadd.s32 $0xFFFFD880  }
.LBB2_1:
0x48: {  	[dreg:$0x17] =	wrdreg s0  }
0x49: {  	s7 =	rddreg [dreg:$0x4]  }
0x4a: {  	[tilespmem:s4], [sflag:$0x9] =	stream.linear.gather [hbm4b:s7+s4], $0x60, $0x38;
	v63 =	vld [tilespmem:$0x0]  }
0x4b: {  	s14 =	rddreg [dreg:$0x5];
	s12 =	simm.s32 $0x80  }
0x4c: {  	[tilespmem:s12], [sflag:$0xA] =	stream.linear.gather [hbm4b:s14+s4], $0x60, $0x38;
	v63 =	vld [tilespmem:$0x0]  }
0x4d: {  	s18 =	rddreg [dreg:$0x9]  }
0x4e: {  	[tilespmem:s16], [sflag:$0xB] =	stream.linear.gather [hbm4b:s18+s4], $0x60, $0x38;
	v63 =	vld [tilespmem:$0x0]  }
0x4f: {  	s29 =	rddreg [dreg:$0xa]  }
0x50: {  	[tilespmem:s21], [sflag:$0xC] =	stream.linear.gather [hbm4b:s29+s4], $0x60, $0x38;
	v63 =	vld [tilespmem:$0x0]  }
0x51: {  	s0 =	rddreg [dreg:$0xb]  }
0x52: {  	[tilespmem:s31], [sflag:$0xD] =	stream.linear.gather [hbm4b:s0+s4], $0x60, $0x38;
	v63 =	vld [tilespmem:$0x0]  }
0x53: {  	s14 =	rddreg [dreg:$0xc];
	s18 =	simm.s32 $0x9;
	s21 =	simm.s32 $0x280  }
0x54: {  	[tilespmem:s21], [sflag:$0xE] =	stream.linear.gather [hbm4b:s14+s4], $0x60, $0x38;
	v63 =	vld [tilespmem:$0x0]  }
0x55: {  	_ =	swait.ge [sflag:s18], $0x60  }
0x56: {  	[sflag:s18] =	ssyncset.done $0x0  }
0x57: {  	s29 =	simm.s32 $0xA;
	s0 =	stileid.u32;
	[sflag:s18] =	ssyncadd.s32 $0xFFFFFFA0  }
0x58: {  	[tilespmem:s8], [sflag:$0x1] =	stream.indirect.gather [hbm4b:s1+s3], $0x80, s4, s3, $0xb8;
	v63 =	vld [tilespmem:$0x0]  }
0x59: {  	s7 =	sshll.u32 s0, $0x6;
	_ =	swait.ge [sflag:s29], $0x60  }
0x5a: {  	s8 =	simm.s32 $0x3400;
	[sflag:s29] =	ssyncset.done $0x0;
	s14 =	rddreg [dreg:$0xd]  }
0x5b: {  	[sflag:s29] =	ssyncadd.s32 $0xFFFFFFA0;
	s18 =	sshrl.u32 s14, $0x3;
	s29 =	rddreg [dreg:$0xe]  }
0x5c: {  	[tilespmem:s8], [sflag:$0x2] =	stream.indirect.gather [hbm4b:s1+s3], $0x80, s12, s3, $0xb8;
	v63 =	vld [tilespmem:$0x0]  }
0x5d: {  	s12 =	sor.u32 $0x1C11, s7;
	[dreg:$0x19] =	wrdreg s18  }
0x5e: {  	[dreg:$0x18] =	wrdreg s12  }
0x5f: {  	[spmem:s18], [sflag:s12] =	dma.local [hbm:s29], $0x2780  }
0x60: {  	_ =	swait.ge [sflag:s13], $0x2780  }
0x61: {  	[sflag:s13] =	ssyncset.done $0x0  }
0x62: {  	[sflag:s13] =	ssyncadd.s32 $0xFFFFD880  }
0x63: {  	[bflag:$0x0] =	sbarrier.arrive $0xFFFF  }
0x64: {  	s18 =	rddreg [dreg:$0x16]  }
0x65: {  	s14 =	simm.s32 $0x9400;
	s28 =	rddreg [dreg:$0x15]  }
0x66: {  	s12 =	simm.s32 $0x0;
	s13 =	simm.s32 $0x180;
	s30 =	rddreg [dreg:$0x14]  }
.LBB2_2:
0x67: {  	s0 =	simm.s32 $0x1  }
0x68: {  	_ =	swait.ge [sflag:s0], $0x3000  }
0x69: {  	[sflag:s0] =	ssyncset.done $0x0  }
0x6a: {  	[sflag:s0] =	ssyncadd.s32 $0xFFFFD000  }
0x6b: {  	_ =	swait.ge [sflag:s15], $0x60  }
0x6c: {  	p0 =	seq.s32 s12, $0x0;
	[sflag:s15] =	ssyncset.done $0x0  }
0x6d: {  	s29 =	simm.s32 @!p0 $0x7;
	s0 =	simm.s32 $0x400;
	[sflag:s15] =	ssyncadd.s32 $0xFFFFFFA0  }
0x6e: {  	[spmem:s2] =	stream.indirect.scatter.add.f32 [tilespmem:s0], [sflag:$0x5], $0x80, s31, s3, $0xb8;
	v63 =	vld [tilespmem:$0x0]  }
0x6f: {  	_ =	swait.ge @!p0 [sflag:s29], $0x3000  }
0x70: {  	s31 =	smov.u32 s30;
	s7 =	rddreg [dreg:$0x7]  }
0x71: {  	[sflag:s29] =	ssyncset.done @!p0 $0x0;
	s31 =	smov.u32 @p0 s7  }
0x72: {  	[sflag:s29] =	ssyncadd.s32 @!p0 $0xFFFFD000;
	s7 =	simm.s32 $0xB;
	s29 =	sadd.s32 s6, s31  }
0x73: {  	[tilespmem:s22], [sflag:$0xF] =	stream.linear.gather [hbm4b:s29+s4], $0x60, $0x38;
	v63 =	vld [tilespmem:$0x0]  }
0x74: {  	_ =	swait.ge [sflag:s7], $0x60  }
0x75: {  	[sflag:s7] =	ssyncset.done $0x0  }
0x76: {  	s29 =	smov.u32 s12;
	[sflag:s7] =	ssyncadd.s32 $0xFFFFFFA0  }
0x77: {  	[tilespmem:s23], [sflag:$0x3] =	stream.indirect.gather [hbm4b:s1+s3], $0x80, s16, s3, $0xb8;
	v63 =	vld [tilespmem:$0x0]  }
0x78: {  	s29 =	simm.s32 @p0 $0x0;
	s16 =	rddreg [dreg:$0xf]  }
0x79: {  	s31 =	sadd.s32 s29, s16  }
0x7a: {  	s31 =	sshrl.u32 s31, $0x3  }
0x7b: {  	s16 =	simm.s32 $0x2;
	s7 =	sadd.s32 s5, s31  }
0x7c: {  	[tilespmem:s4], [sflag:$0x9] =	stream.linear.gather [hbm4b:s7+s4], $0x60, $0x38;
	v63 =	vld [tilespmem:$0x0]  }
0x7d: {  	_ =	swait.ge [sflag:s16], $0x3000  }
0x7e: {  	[sflag:s16] =	ssyncset.done $0x0  }
0x7f: {  	[sflag:s16] =	ssyncadd.s32 $0xFFFFD000;
	s16 =	simm.s32 $0xE  }
0x80: {  	_ =	swait.ge [sflag:s16], $0x60  }
0x81: {  	[sflag:s16] =	ssyncset.done $0x0  }
0x82: {  	s7 =	rddreg [dreg:$0x6];
	[sflag:s16] =	ssyncadd.s32 $0xFFFFFFA0;
	s16 =	simm.s32 @!p0 $0x8  }
0x83: {  	[spmem:s2] =	stream.indirect.scatter.add.f32 [tilespmem:s8], [sflag:$0x6], $0x80, s21, s3, $0xb8;
	v63 =	vld [tilespmem:$0x0]  }
0x84: {  	s7 =	sadd.s32 @!p0 s7, s29;
	_ =	swait.ge @!p0 [sflag:s16], $0x3000  }
0x85: {  	s7 =	sshrl.u32 @!p0 s7, $0x3;
	s21 =	rddreg [dreg:$0x8]  }
0x86: {  	[sflag:s16] =	ssyncset.done @!p0 $0x0;
	s7 =	smov.u32 @p0 s21  }
0x87: {  	[sflag:s16] =	ssyncadd.s32 @!p0 $0xFFFFD000;
	s21 =	simm.s32 $0x380;
	s7 =	sadd.s32 s6, s7  }
0x88: {  	[tilespmem:s21], [sflag:$0x10] =	stream.linear.gather [hbm4b:s7+s4], $0x60, $0x38;
	v63 =	vld [tilespmem:$0x0]  }
0x89: {  	_ =	swait.ge [sflag:s25], $0x60  }
0x8a: {  	[sflag:s25] =	ssyncset.done $0x0  }
0x8b: {  	p0 =	seq.s32 s12, $0x2580;
	[sflag:s25] =	ssyncadd.s32 $0xFFFFFFA0  }
0x8c: {  	[tilespmem:s14], [sflag:$0x4] =	stream.indirect.gather [hbm4b:s1+s3], $0x80, s13, s3, $0xb8;
	v63 =	vld [tilespmem:$0x0]  }
0x8d: {  	s16 =	simm.s32 @!p0 $0x80;
	s7 =	simm.s32 @!p0 $0x0  }
0x8e: {  	[tilespmem:s16], [sflag:$0xA] =	stream.linear.gather @!p0 [hbm4b:s18+s7], $0x60, $0x38;
	v63 =	vld [tilespmem:$0x0]  }
0x8f: {  	_ =	swait.ge [sflag:s26], $0x3000  }
0x90: {  	[sflag:s26] =	ssyncset.done $0x0  }
0x91: {  	[sflag:s26] =	ssyncadd.s32 $0xFFFFD000  }
0x92: {  	_ =	swait.ge [sflag:s9], $0x60  }
0x93: {  	[sflag:s9] =	ssyncset.done $0x0  }
0x94: {  	[sflag:s9] =	ssyncadd.s32 $0xFFFFFFA0  }
0x95: {  	[spmem:s2] =	stream.indirect.scatter.add.f32 [tilespmem:s23], [sflag:$0x7], $0x80, s22, s3, $0xb8;
	v63 =	vld [tilespmem:$0x0]  }
0x96: {  	_ =	swait.ge [sflag:s10], $0x3000  }
0x97: {  	s21 =	simm.s32 $0x9;
	[sflag:s10] =	ssyncset.done $0x0  }
0x98: {  	s16 =	sadd.s32 s6, s31;
	s31 =	simm.s32 $0x200;
	[sflag:s10] =	ssyncadd.s32 $0xFFFFD000  }
0x99: {  	[tilespmem:s31], [sflag:$0xD] =	stream.linear.gather [hbm4b:s16+s4], $0x60, $0x38;
	v63 =	vld [tilespmem:$0x0]  }
.Ltmp2:
0x9a: {  	_ =	swait.ge [sflag:s21], $0x60;
	(pc) =	sbr.rel @p0 .LBB2_4-.Ltmp2, $4  }
0x9b: {  	[sflag:s21] =	ssyncset.done $0x0  }
0x9c: {  	[sflag:s21] =	ssyncadd.s32 $0xFFFFFFA0  }
0x9d: {  	[tilespmem:s0], [sflag:$0x1] =	stream.indirect.gather [hbm4b:s1+s3], $0x80, s4, s3, $0xb8;
	v63 =	vld [tilespmem:$0x0]  }
0x9e: {  	s8 =	simm.s32 $0x280;
	s21 =	simm.s32 $0x180;
	s0 =	simm.s32 $0x9400  }
0x9f: {  	s7 =	rddreg [dreg:$0x10]  }
0xa0: {  	s7 =	sadd.s32 s29, s7  }
0xa1: {  	s7 =	sshrl.u32 s7, $0x3  }
0xa2: {  	s7 =	sadd.s32 s5, s7  }
0xa3: {  	[tilespmem:s24], [sflag:$0xB] =	stream.linear.gather [hbm4b:s7+s4], $0x60, $0x38;
	v63 =	vld [tilespmem:$0x0]  }
0xa4: {  	_ =	swait.ge [sflag:s11], $0x3000  }
0xa5: {  	[sflag:s11] =	ssyncset.done $0x0  }
0xa6: {  	[sflag:s11] =	ssyncadd.s32 $0xFFFFD000  }
0xa7: {  	_ =	swait.ge [sflag:s19], $0x60  }
0xa8: {  	[sflag:s19] =	ssyncset.done $0x0  }
0xa9: {  	s16 =	simm.s32 $0x380;
	[sflag:s19] =	ssyncadd.s32 $0xFFFFFFA0  }
0xaa: {  	[spmem:s2] =	stream.indirect.scatter.add.f32 [tilespmem:s0], [sflag:$0x8], $0x80, s16, s3, $0xb8;
	v63 =	vld [tilespmem:$0x0]  }
0xab: {  	_ =	swait.ge [sflag:s20], $0x3000  }
0xac: {  	[sflag:s20] =	ssyncset.done $0x0  }
0xad: {  	s13 =	simm.s32 $0xA;
	[sflag:s20] =	ssyncadd.s32 $0xFFFFD000  }
0xae: {  	[tilespmem:s8], [sflag:$0xE] =	stream.linear.gather [hbm4b:s28+s4], $0x60, $0x38;
	v63 =	vld [tilespmem:$0x0]  }
0xaf: {  	_ =	swait.ge [sflag:s13], $0x60  }
0xb0: {  	s14 =	simm.s32 $0x80;
	[sflag:s13] =	ssyncset.done $0x0  }
0xb1: {  	s30 =	sadd.s32 $0x30, s30;
	s16 =	rddreg [dreg:$0x11];
	[sflag:s13] =	ssyncadd.s32 $0xFFFFFFA0  }
0xb2: {  	[tilespmem:s17], [sflag:$0x2] =	stream.indirect.gather [hbm4b:s1+s3], $0x80, s14, s3, $0xb8;
	v63 =	vld [tilespmem:$0x0]  }
.Ltmp3:
0xb3: {  	s12 =	sadd.s32 $0x180, s12;
	s7 =	sadd.s32 s29, s16;
	(pc) =	sbr.rel .LBB2_2-.Ltmp3, $4  }
0xb4: {  	s18 =	sadd.s32 $0x30, s18;
	s28 =	sadd.s32 $0x30, s28;
	s7 =	sshrl.u32 s7, $0x3  }
0xb5: {  	s8 =	simm.s32 $0x3400;
	s16 =	simm.s32 $0x100;
	s7 =	sadd.s32 s5, s7  }
0xb6: {  	[tilespmem:s21], [sflag:$0xC] =	stream.linear.gather [hbm4b:s7+s4], $0x60, $0x38;
	v63 =	vld [tilespmem:$0x0]  }
0xb7: {  	s13 =	simm.s32 $0x180;
	s14 =	simm.s32 $0x9400;
	s21 =	simm.s32 $0x280  }
.LBB2_5:
0xb8: {  	_ =	sfence.sel $0x180000  }
0xb9: {  	[bflag:$0x0] =	sbarrier.arrive $0xFFFF  }
0xba: {  	_ =	strace $0x9000004D  }
0xbb: {  	s0 =	stileid.u32;
	[bflag:$0x2] =	sbarrier.arrive $0xFFFF  }
0xbc: {  	p0 =	sne.s32 s0, $0x0;
	s0 =	rddreg [dreg:$0x3]  }
0xbd: {  	s0 =	sadd.s32 @!p0 $0x100000, s0  }
0xbe: {  	[sflag:s0] =	ssyncadd.tile.s32 @!p0 $0x1;
	_ =	shalt  }
.Lfunc_end2:
_tile_overlayer_lowered:
.L_overlay_start_2:
0xbf: {  	(tag) =	ssettag $0x2  }
0xc0: {  	s0 =	rddreg [dreg:$0x0];
	s2 =	stileid.u32  }
0xc1: {  	s1 =	rddreg [dreg:$0x1];
	p0 =	sne.s32 s2, $0x0  }
0xc2: {  	s3 =	rddreg [dreg:$0x2];
	[bflag:$0x3] =	sbarrier.arrive $0xFFFF;
	s2 =	simm.s32 @!p0 $0x1C11  }
0xc3: {  	[timem:s3], [sflag:s2] =	dma.local @!p0 [hbm:s0], s1  }
0xc4: {  	s0 =	simm.s32 @!p0 $0x11  }
0xc5: {  	_ =	swait.ge @!p0 [sflag:s0], s1  }
0xc6: {  	s1 =	ssub.s32 @!p0 $0x0, s1;
	[sflag:s0] =	ssyncset.done @!p0 $0x0  }
0xc7: {  	[sflag:s0] =	ssyncadd.s32 @!p0 s1  }
0xc8: {  	[bflag:$0x3] =	sbarrier.arrive $0xFFFF  }
0xc9: {  	_ =	shalt  }

// kernel: kernel.8.cloned.1.call-start
scs
__scs_entry_jumppad:
0x0: {  	(pc) =	sbr.rel $0x88, $3  }
0x1: {  	(tag) =	ssettag $0x0;
	lr =	simm.s32 $0x1  }
0x2: {  	[smem:$0x3F9B] =	sst lr;
	_ =	strace $0xD0000000  }
0x3: {  	_ = 	snop  }
0x4: {  	_ = 	snop  }
0x5: {  	_ = 	snop  }
0x6: {  	_ = 	snop  }
0x7: {  	_ = 	snop  }
__scs_overlays_trampoline_lowered:
0x8: {  	[smem:$0x3FAA] =	sst s0  }
0x9: {  	[smem:$0x3FAB] =	sst s1  }
0xa: {  	[smem:$0x3FAC] =	sst s2  }
0xb: {  	[smem:$0x3FAD] =	sst s3  }
0xc: {  	[smem:$0x3FAE] =	sst s4  }
0xd: {  	[smem:$0x3FAF] =	sst s5  }
0xe: {  	[smem:$0x3FB0] =	sst s6  }
0xf: {  	[smem:$0x3FB1] =	sst s7  }
0x10: {  	[smem:$0x3FB2] =	sst s8  }
0x11: {  	[smem:$0x3FB3] =	sst s9;
	s0 =	simm.s32 @!p0 $0x0  }
0x12: {  	s1 =	sld [smem:$0x3F99];
	s0 =	simm.s32 @p0 $0x1  }
0x13: {  	[smem:$0x3FB4] =	sst s0;
	s0 =	simm.s32 @!p1 $0x0  }
0x14: {  	s2 =	sld [smem:$0x3F98];
	s0 =	simm.s32 @p1 $0x1  }
0x15: {  	[smem:$0x3FB5] =	sst s0;
	s0 =	simm.s32 @!p2 $0x0  }
0x16: {  	s3 =	sld [smem:$0x3FDB];
	s0 =	simm.s32 @p2 $0x1  }
0x17: {  	s4 =	simm.s32 $0x1BF5;
	[smem:$0x3FB7] =	sst s0  }
0x18: {  	s0 =	sld [smem:$0x3F9A];
	_ =	swait.ge [sflag:s4], $0x0  }
0x19: {  	s7 =	sld [smem:$0x3F9B]  }
0x1a: {  	s8 =	sadd.s32 $0xFFFFE003, lr  }
0x1b: {  	s9 =	sadd.s32 $0xFFFFFEF7, lr;
	s5 =	simm.s32 $0xFFFFFFFF;
	p2 =	slt.u32 s8, $0xFFFFF086  }
0x1c: {  	p1 =	slt.u32 s9, $0xF7A;
	s5 =	simm.s32 @!p2 $0x0  }
0x1d: {  	s5 =	simm.s32 @p1 $0x1;
	p0 =	seq.s32 s7, s2  }
0x1e: {  	s7 =	smul.u32 @!p0 $0xF7A, s2;
	p2 =	seq.s32 @!p0 s5, $0x0  }
0x1f: {  	s9 =	smul.u32 $0xF7A, s1;
	s8 =	simm.s32 @!p0 $0x1BF5;
	p2 =	por !p2, p0  }
0x20: {  	[sflag:s8] =	ssyncset.s32 @!p0 $0xFFFFF086;
	s6 =	sadd.s32 @!p0 s3, s7;
	s7 =	simm.s32 @!p0 $0x108  }
0x21: {  	s3 =	sadd.s32 s3, s9;
	s6 =	sadd.s32 @!p0 $0x88, s6;
	s7 =	simm.s32 @p2 $0x1082  }
0x22: {  	[simem:s7], [sflag:s8] =	dma.local @!p0 [hbm:s6], $0xF7A  }
0x23: {  	s9 =	sor.u32 $0xD0000000, s2;
	s6 =	simm.s32 $0x108;
	_ =	swait.ge @!p0 [sflag:s8], $0x0  }
0x24: {  	s3 =	sadd.s32 $0x88, s3;
	s6 =	simm.s32 @!p1 $0x1082;
	[sflag:s4] =	ssyncset.s32 $0xFFFFF086  }
0x25: {  	[simem:s6], [sflag:s4] =	dma.local [hbm:s3], $0xF7A  }
0x26: {  	[smem:$0x3F9B] =	sst s1;
	(tag) =	ssettag s2;
	_ =	strace s9  }
0x27: {  	s1 =	sld [smem:$0x3FAB]  }
0x28: {  	s2 =	sld [smem:$0x3FAC]  }
0x29: {  	s4 =	sld [smem:$0x3FAE]  }
0x2a: {  	p0 =	seq.s32 s5, $0x0;
	s5 =	sld [smem:$0x3FAF]  }
0x2b: {  	s6 =	sld [smem:$0x3FB0]  }
0x2c: {  	s7 =	sld [smem:$0x3FB1]  }
0x2d: {  	s3 =	simm.s32 $0x108;
	s8 =	sld [smem:$0x3FB2]  }
0x2e: {  	s3 =	simm.s32 @!p0 $0x1082;
	s9 =	sld [smem:$0x3FB3]  }
0x2f: {  	lr =	sadd.s32 s0, s3;
	s0 =	sld [smem:$0x3FAA]  }
0x30: {  	s3 =	sld [smem:$0x3FAD]  }
0x31: {  	[smem:$0x3FB6] =	sst s10  }
0x32: {  	s10 =	sld [smem:$0x3FB4];
	_ =	sdelay $0x3  }
0x33: {  	p0 =	seq.s32 s10, $0x1;
	s10 =	sld [smem:$0x3FB6];
	_ =	sdelay $0x3  }
0x34: {  	[smem:$0x3FB6] =	sst s10  }
0x35: {  	s10 =	sld [smem:$0x3FB5];
	_ =	sdelay $0x3  }
0x36: {  	p1 =	seq.s32 s10, $0x1;
	s10 =	sld [smem:$0x3FB6];
	_ =	sdelay $0x3  }
0x37: {  	[smem:$0x3FB6] =	sst s10  }
0x38: {  	s10 =	sld [smem:$0x3FB7]  }
0x39: {  	_ = 	snop;
	(pc) =	sbr.ind lr, $3  }
0x3a: {  	_ = 	snop  }
0x3b: {  	_ = 	snop  }
0x3c: {  	p2 =	seq.s32 s10, $0x1;
	s10 =	sld [smem:$0x3FB6]  }
0x3d: {  	_ =	shalt  }
0x3e: {  	_ =	shalt  }
0x3f: {  	_ =	shalt  }
0x40: {  	_ =	shalt  }
0x41: {  	_ =	shalt  }
0x42: {  	_ =	shalt  }
0x43: {  	_ =	shalt  }
0x44: {  	_ =	shalt  }
0x45: {  	_ =	shalt  }
0x46: {  	_ =	shalt  }
0x47: {  	_ =	shalt  }
0x48: {  	_ =	shalt  }
0x49: {  	_ =	shalt  }
0x4a: {  	_ =	shalt  }
0x4b: {  	_ =	shalt  }
0x4c: {  	_ =	shalt  }
0x4d: {  	_ =	shalt  }
0x4e: {  	_ =	shalt  }
0x4f: {  	_ =	shalt  }
0x50: {  	_ =	shalt  }
0x51: {  	_ =	shalt  }
0x52: {  	_ =	shalt  }
0x53: {  	_ =	shalt  }
0x54: {  	_ =	shalt  }
0x55: {  	_ =	shalt  }
0x56: {  	_ =	shalt  }
0x57: {  	_ =	shalt  }
0x58: {  	_ =	shalt  }
0x59: {  	_ =	shalt  }
0x5a: {  	_ =	shalt  }
0x5b: {  	_ =	shalt  }
0x5c: {  	_ =	shalt  }
0x5d: {  	_ =	shalt  }
0x5e: {  	_ =	shalt  }
0x5f: {  	_ =	shalt  }
0x60: {  	_ =	shalt  }
0x61: {  	_ =	shalt  }
0x62: {  	_ =	shalt  }
0x63: {  	_ =	shalt  }
0x64: {  	_ =	shalt  }
0x65: {  	_ =	shalt  }
0x66: {  	_ =	shalt  }
0x67: {  	_ =	shalt  }
0x68: {  	_ =	shalt  }
0x69: {  	_ =	shalt  }
0x6a: {  	_ =	shalt  }
0x6b: {  	_ =	shalt  }
0x6c: {  	_ =	shalt  }
0x6d: {  	_ =	shalt  }
0x6e: {  	_ =	shalt  }
0x6f: {  	_ =	shalt  }
0x70: {  	_ =	shalt  }
0x71: {  	_ =	shalt  }
0x72: {  	_ =	shalt  }
0x73: {  	_ =	shalt  }
0x74: {  	_ =	shalt  }
0x75: {  	_ =	shalt  }
0x76: {  	_ =	shalt  }
0x77: {  	_ =	shalt  }
0x78: {  	_ =	shalt  }
0x79: {  	_ =	shalt  }
0x7a: {  	_ =	shalt  }
0x7b: {  	_ =	shalt  }
0x7c: {  	_ =	shalt  }
0x7d: {  	_ =	shalt  }
0x7e: {  	_ =	shalt  }
0x7f: {  	_ =	shalt  }
0x80: {  	_ =	shalt  }
0x81: {  	_ =	shalt  }
0x82: {  	_ =	shalt  }
0x83: {  	_ =	shalt  }
0x84: {  	_ =	shalt  }
0x85: {  	_ =	shalt  }
0x86: {  	_ =	shalt  }
0x87: {  	_ =	shalt  }
.Lfunc_end0:
.L_simem_size_0:
called_computation_lowered:
.L_overlay_start_0:
0x88: {  	s2 =	sld [smem:$0x3FD9]  }
0x89: {  	s3 =	sld [smem:$0x3FFE];
	_ =	sdelay $0x1  }
0x8a: {  	s1 =	srdreg.scid  }
0x8b: {  	s0 =	sand.u32 $0x1, s1  }
0x8c: {  	s17 =	sshll.u32 s0, $0xA;
	s2 =	sadd.s32 s3, s2  }
0x8d: {  	s2 =	sadd.s32 s2, s17  }
0x8e: {  	[smem:$0x3FC2] =	sst s2  }
0x8f: {  	_ = 	snop  }
0x90: {  	s2 =	sld [smem:$0x3FD0];
	(tm) =	ssettm $0x1  }
0x91: {  	s18 =	sld [smem:$0x3FFB];
	_ =	sdelay $0x3  }
0x92: {  	_ =	strace s18  }
0x93: {  	s3 =	sld [smem:$0x3FFC];
	_ =	sdelay $0x3  }
0x94: {  	_ =	strace s3  }
0x95: {  	s3 =	sld [smem:$0x3FFD];
	_ =	sdelay $0x3  }
0x96: {  	_ =	strace s3  }
0x97: {  	_ =	strace $0x8FFFFFFF  }
0x98: {  	s19 =	sld [smem:$0x3FDB];
	_ =	sdelay $0x1  }
0x99: {  	s4 =	simm.s32 $_scs_section_size  }
0x9a: {  	s5 =	simm.s32 $_size__tile_overlayer_lowered;
	s6 =	simm.s32 $_tile_overlayer_lowered  }
0x9b: {  	s22 =	simm.s32 $0x1BFF;
	s21 =	sshll.u32 s6, $0x1;
	s3 =	sadd.s32 s4, s19  }
0x9c: {  	s7 =	simm.s32 $0x0;
	s20 =	sshll.u32 s5, $0x1;
	s5 =	sadd.s32 s21, s3  }
0x9d: {  	[timem:s7], [sflag:s22] =	dma.local [hbm:s5], s20  }
0x9e: {  	_ =	swait.ge [sflag:s22], s20  }
0x9f: {  	s4 =	ssub.s32 $0x0, s20;
	[sflag:s22] =	ssyncset.done $0x0  }
0xa0: {  	[sflag:s22] =	ssyncadd.s32 s4;
	_ =	sdelay $0x1  }
0xa1: {  	s23 =	simm.s32 $0x1B8B  }
0xa2: {  	_ =	swait.ge [sflag:s23], $0x1  }
0xa3: {  	[sflag:s23] =	ssyncset.done $0x0  }
0xa4: {  	s25 =	simm.s32 $0x1B8E;
	s24 =	sld [smem:$0x3FFE];
	[sflag:s23] =	ssyncadd.s32 $0xFFFFFFFF  }
0xa5: {  	s26 =	simm.s32 $execute0_lowered;
	[smem:$0x3FD2] =	sst s25  }
0xa6: {  	s5 =	sshll.u32 s26, $0x1;
	_ =	strace $0x80000046;
	[dreg:$0x1] =	wrdreg $0xFFFFFFFF  }
0xa7: {  	s28 =	simm.s32 $_size_execute0_lowered;
	s3 =	sadd.s32 s3, s5;
	[dreg:$0x0] =	wrdreg $0x0  }
0xa8: {  	s5 =	sshll.u32 s28, $0x1;
	[dreg:$0x2] =	wrdreg s3  }
0xa9: {  	[dreg:$0x3] =	wrdreg s5  }
0xaa: {  	[dreg:$0x4] =	wrdreg $0xC0  }
0xab: {  	_ =	task [dreg:s7], $0x5FFFF  }
0xac: {  	[dreg:$0x1] =	wrdreg $0xFFFFFFFF  }
0xad: {  	[dreg:$0x0] =	wrdreg $0x60  }
0xae: {  	[dreg:$0x2] =	wrdreg s24  }
0xaf: {  	[dreg:$0x3] =	wrdreg s2  }
0xb0: {  	[dreg:$0x4] =	wrdreg $0x9  }
0xb1: {  	_ =	task.clear_ibuf [dreg:s7], $0x5FFFF;
	_ =	strace $0x90000046  }
0xb2: {  	s29 =	simm.s32 $0x9;
	_ =	strace $0x80000048  }
0xb3: {  	_ =	swait.ge [sflag:s29], $0x1  }
0xb4: {  	[sflag:s29] =	ssyncadd.s32 $0xFFFFFFFF  }
0xb5: {  	_ =	strace $0x90000048  }
0xb6: {  	_ =	sfence  }
0xb7: {  	s30 =	sld [smem:$0x0];
	_ =	sdelay $0x2  }
0xb8: {  	s31 =	sshll.u32 s1, $0xD;
	s1 =	sshrl.u32 s1, $0x2  }
0xb9: {  	s3 =	sand.u32 $0x4000, s31;
	s1 =	sadd.s32 s1, s30  }
0xba: {  	s0 =	sor.u32 s3, s0;
	s1 =	sshll.u32 s1, $0x11  }
0xbb: {  	s0 =	sor.u32 s1, s0  }
0xbc: {  	s0 =	sadd.s32 $0x8F2B, s0  }
0xbd: {  	[sflag:s0] =	ssyncadd.remote.s32 $0x1  }
0xbe: {  	_ =	sfence.sel $0xFFFF  }
0xbf: {  	[dreg:$0x0] =	wrdreg $0xFFFFFFFF;
	(pc) =	sbr.abs _section_cstart, $3  }
0xc0: {  	[dreg:$0x1] =	wrdreg $0xFFFFFFFF  }
0xc1: {  	_ =	task.clear_ibuf [dreg:s7], $0x2FFFF;
	_ =	strace $0x9FFFFFFF  }
0xc2: {  	(tm) =	ssettm $0x7FFFFFFF  }
0xc3: {  	_ =	shalt  }
tec
execute0_lowered:
.L_overlay_start_1:
0x0: {  	(tag) =	ssettag $0x1  }
0x1: {  	s0 =	srdreg.scid  }
0x2: {  	s3 =	sand.u32 $0x1, s0  }
0x3: {  	s4 =	rddreg [dreg:$0x0];
	s0 =	stileid.u32;
	s1 =	sshll.u32 s3, $0x4  }
0x4: {  	s5 =	rddreg [dreg:$0x1];
	s2 =	simm.s32 $0x0;
	s6 =	sor.u32 s0, s1  }
0x5: {  	s10 =	simm.s32 $0x0;
	s3 =	ssub.s32 $0x2, s3;
	s7 =	smul.u32 $0x4E2, s6  }
0x6: {  	[smem:$0x7FF] =	sst s2;
	s31 =	sshrl.u32 s3, $0x1;
	s6 =	smul.u32 $0x4F0, s6  }
0x7: {  	s1 =	rddreg [dreg:$0x2];
	_ =	strace $0x80000047;
	s9 =	ssub.s32 s3, s31  }
0x8: {  	s8 =	sadd.s32 s7, s4;
	s6 =	sadd.s32 s6, s4;
	s5 =	sadd.s32 s5, s7  }
0x9: {  	s7 =	smax.u32 s9, $0x1;
	s9 =	simm.s32 $0x2780;
	s3 =	sadd.s32 $0x2A00, s8  }
0xa: {  	v0 =	vimm.f32 $0.0e+00;
	v1 =	vimm.f32 $1.000000000e+00;
	s4 =	sadd.s32 $0xC800, s6;
	s6 =	sadd.s32 $0x16600, s6;
	s8 =	simm.s32 $0x1  }
.LBB2_1:
0xb: {  	s11 =	simm.s32 $0x40;
	s12 =	simm.s32 $0x0  }
.LBB2_2:
0xc: {  	p0 =	sne.s32 s11, $0x9C00;
	[tilespmem:s12+$0x2780] =	vst v0;
	s12 =	smov.u32 s11;
	s11 =	sadd.s32 $0x40, s11  }
.Ltmp0:
0xd: {  	(pc) =	sbr.rel @p0 .LBB2_2-.Ltmp0, $2  }
0xe: {  	_ =	sdelay $0x2  }
0xf: {  	s12 =	sshra.s32 s12, $0x2  }
0x10: {  	[tilespmem:s12+$0x2780] =	vst v0;
	s11 =	simm.s32 $0x0  }
0x11: {  	[tilespmem:s11], [sflag:$0x1] =	stream.linear.gather [hbm4b:s3+s11], $0x2710, $0x38;
	[tilespmem:$0x4F00] =	vst v63  }
0x12: {  	_ =	swait.ge [sflag:s8], $0x2710  }
0x13: {  	[sflag:s8] =	ssyncset.done $0x0  }
0x14: {  	s12 =	simm.s32 $0x0;
	s11 =	simm.s32 $0x40;
	[sflag:s8] =	ssyncadd.s32 $0xFFFFD8F0  }
.LBB2_4:
0x15: {  	p0 =	sne.s32 s11, $0x9C00;
	v2 =	vld [tilespmem:s12+$0x0];
	_ =	sdelay $0x3  }
.Ltmp1:
0x16: {  	(pc) =	sbr.rel @p0 .LBB2_4-.Ltmp1, $2  }
0x17: {  	_ =	sdelay $0x2  }
0x18: {  	s12 =	sshra.s32 s11, $0x2;
	s11 =	sadd.s32 $0x40, s11;
	[tilespmem:v2+s9+$0x0] =	vst.idx.add.f32.msk $0xffff, v1  }
0x19: {  	v2 =	vld [tilespmem:s12+$0x0];
	_ =	sdelay $0x7  }
0x1a: {  	s11 =	simm.s32 $0x0;
	[tilespmem:v2+s9+$0x0] =	vst.idx.add.f32.msk $0xffff, v1  }
0x1b: {  	[hbm4b:s4+s11] =	stream.linear.scatter [tilespmem:s9], [sflag:$0x1], $0x2780, $0x38;
	[tilespmem:$0x4F00] =	vst v63  }
0x1c: {  	_ =	swait.ge [sflag:s8], $0x2780  }
0x1d: {  	[sflag:s8] =	ssyncset.done $0x0  }
0x1e: {  	s12 =	simm.s32 $0x0;
	s11 =	simm.s32 $0x40;
	[sflag:s8] =	ssyncadd.s32 $0xFFFFD880  }
.LBB2_6:
0x1f: {  	p0 =	sne.s32 s11, $0x9C00;
	[tilespmem:s12+$0x2780] =	vst v0;
	s12 =	smov.u32 s11;
	s11 =	sadd.s32 $0x40, s11  }
.Ltmp2:
0x20: {  	(pc) =	sbr.rel @p0 .LBB2_6-.Ltmp2, $2  }
0x21: {  	_ =	sdelay $0x2  }
0x22: {  	s12 =	sshra.s32 s12, $0x2  }
0x23: {  	[tilespmem:s12+$0x2780] =	vst v0;
	s11 =	simm.s32 $0x0  }
0x24: {  	[tilespmem:s11], [sflag:$0x1] =	stream.linear.gather [hbm4b:s5+s11], $0x2710, $0x38;
	[tilespmem:$0x4F00] =	vst v63  }
0x25: {  	_ =	swait.ge [sflag:s8], $0x2710  }
0x26: {  	[sflag:s8] =	ssyncset.done $0x0  }
0x27: {  	s12 =	simm.s32 $0x0;
	s11 =	simm.s32 $0x40;
	[sflag:s8] =	ssyncadd.s32 $0xFFFFD8F0  }
.LBB2_8:
0x28: {  	p0 =	sne.s32 s11, $0x9C00;
	v2 =	vld [tilespmem:s12+$0x0];
	_ =	sdelay $0x3  }
.Ltmp3:
0x29: {  	(pc) =	sbr.rel @p0 .LBB2_8-.Ltmp3, $2  }
0x2a: {  	_ =	sdelay $0x2  }
0x2b: {  	s12 =	sshra.s32 s11, $0x2;
	s11 =	sadd.s32 $0x40, s11;
	[tilespmem:v2+s9+$0x0] =	vst.idx.add.f32.msk $0xffff, v1  }
0x2c: {  	v2 =	vld [tilespmem:s12+$0x0];
	_ =	sdelay $0x5  }
0x2d: {  	s10 =	sadd.s32 $0x1, s10  }
0x2e: {  	p0 =	sne.s32 s10, s7  }
.Ltmp4:
0x2f: {  	[tilespmem:v2+s9+$0x0] =	vst.idx.add.f32.msk $0xffff, v1;
	(pc) =	sbr.rel @p0 .LBB2_1-.Ltmp4, $4  }
0x30: {  	[hbm4b:s6+s2] =	stream.linear.scatter [tilespmem:s9], [sflag:$0x1], $0x2780, $0x38;
	[tilespmem:$0x4F00] =	vst v63  }
0x31: {  	_ =	swait.ge [sflag:s8], $0x2780  }
0x32: {  	[sflag:s8] =	ssyncset.done $0x0  }
0x33: {  	[sflag:s8] =	ssyncadd.s32 $0xFFFFD880  }
0x34: {  	_ =	sfence.sel $0x180000  }
0x35: {  	[bflag:$0x0] =	sbarrier.arrive $0xFFFF  }
0x36: {  	p0 =	sne.s32 s0, $0x0;
	_ =	strace $0x90000047  }
0x37: {  	s0 =	sadd.s32 @!p0 $0x100000, s1;
	[bflag:$0x2] =	sbarrier.arrive $0xFFFF  }
0x38: {  	[sflag:s0] =	ssyncadd.tile.s32 @!p0 $0x1;
	_ =	shalt  }
.Lfunc_end2:
_tile_overlayer_lowered:
.L_overlay_start_2:
0x39: {  	(tag) =	ssettag $0x2  }
0x3a: {  	s0 =	rddreg [dreg:$0x0];
	s2 =	stileid.u32  }
0x3b: {  	s1 =	rddreg [dreg:$0x1];
	p0 =	sne.s32 s2, $0x0  }
0x3c: {  	s3 =	rddreg [dreg:$0x2];
	[bflag:$0x3] =	sbarrier.arrive $0xFFFF;
	s2 =	simm.s32 @!p0 $0x1C01  }
0x3d: {  	[timem:s3], [sflag:s2] =	dma.local @!p0 [hbm:s0], s1  }
0x3e: {  	s0 =	simm.s32 @!p0 $0x1  }
0x3f: {  	_ =	swait.ge @!p0 [sflag:s0], s1  }
0x40: {  	s1 =	ssub.s32 @!p0 $0x0, s1;
	[sflag:s0] =	ssyncset.done @!p0 $0x0  }
0x41: {  	[sflag:s0] =	ssyncadd.s32 @!p0 s1  }
0x42: {  	[bflag:$0x3] =	sbarrier.arrive $0xFFFF  }
0x43: {  	_ =	shalt  }

</sc_bundles>
